<compile_context>
chip_gen: v7x
topology: tpu7x:2x2x1
jax: 0.10.2.dev20260603
libtpu: 0.0.44.dev20260713+nightly
codegen_flags: <defaults>
</compile_context>

<pallas_src>
import functools

import jax
import jax.numpy as jnp
from jax import lax
from jax.experimental import pallas as pl
from jax.experimental.pallas import tpu as pltpu
from jax.experimental.pallas import tpu_sc as plsc

_NC = 2
_NS = 16
_NW = _NC * _NS
_CHUNK = 128


@functools.lru_cache(maxsize=None)
def _build(n_chunks, vocab, dim):
    mesh = plsc.VectorSubcoreMesh(core_axis_name="c", subcore_axis_name="s")

    @functools.partial(
        pl.kernel,
        mesh=mesh,
        compiler_params=pltpu.CompilerParams(use_tc_tiling_on_sc=False),
        out_type=jax.ShapeDtypeStruct((_NW, n_chunks, _CHUNK, dim), jnp.float32),
        scratch_types=[
            pltpu.VMEM((n_chunks, _CHUNK), jnp.int32),
            pltpu.VMEM((n_chunks, _CHUNK, dim), jnp.float32),
            pltpu.SemaphoreType.DMA,
        ],
    )
    def _gather(idx_hbm, table_hbm, out_hbm, idx_v, rows_v, sem):
        wid = lax.axis_index("s") * _NC + lax.axis_index("c")
        pltpu.sync_copy(idx_hbm.at[wid], idx_v)
        copies = [
            pltpu.async_copy(table_hbm.at[idx_v.at[j]], rows_v.at[j], sem)
            for j in range(n_chunks)
        ]
        for c in copies:
            c.wait()
        pltpu.sync_copy(rows_v, out_hbm.at[wid])

    return _gather


def kernel(token_id, table):
    b = token_id.shape[0]
    vocab, dim = table.shape
    per_w = -(-b // (_NW * _CHUNK))
    b_pad = _NW * per_w * _CHUNK
    idx = token_id.astype(jnp.int32)
    npad = b_pad - b
    if npad:
        pad = jnp.arange(npad, dtype=jnp.int32) % jnp.int32(vocab)
        idx = jnp.concatenate([idx, pad])
    idx3 = idx.reshape(_NW, per_w, _CHUNK)
    out = _build(per_w, vocab, dim)(idx3, table)
    return out.reshape(b_pad, dim)[:b]

# --- scband reference (transcript-rebuilt; emitter-appended) ---
"""Pipeline reference for scband-token-embedding-29386166239564 (READ-ONLY COPY).

The authoritative reference and input builder live on the scoring server;
editing this copy changes nothing except your own understanding.
"""

import jax, jax.numpy as jnp
import numpy as np

VOCAB = 1000000
DIM = 32
N_NODES = 100000

def setup_inputs(seed: int = 0) -> dict:
    key = jax.random.key(seed)
    k_idx, k_tab = jax.random.split(key)
    token_id = jax.random.randint(k_idx, (N_NODES,), 0, VOCAB, dtype=jnp.int64 if jax.config.read('jax_enable_x64') else jnp.int32)
    # embedding table (nn.Embedding weight), default init ~ N(0,1)
    table = jax.random.normal(k_tab, (VOCAB, DIM), dtype=jnp.float32)
    return {"token_id": token_id, "table": table}

def reference(token_id, table):
    # graph.ndata['token_embeds'] = self.embedding(graph.ndata['token_id'])
    # The meaningful computation is the embedding gather; we return the
    # node embedding tensor that gets attached to the graph.
    token_embeds = jnp.take(table, token_id, axis=0)
    return token_embeds

if __name__ == "__main__":
    import jax
    _d = setup_inputs()
    print(jax.jit(kernel)(*tuple(_d.values())))

</pallas_src>

<mosaic_0001>
#map = affine_map<(d0, d1) -> (0, 0, 0)>
#map1 = affine_map<(d0, d1) -> (0, 0)>
#map2 = affine_map<(d0, d1) -> (0, 0, 0, 0)>
module attributes {stable_mosaic.version = 14 : i64} {
  func.func @_gather(%arg0: i32, %arg1: i32, %arg2: memref<32x25x128xi32, #tpu.memory_space<hbm>>, %arg3: memref<1000000x32xf32, #tpu.memory_space<hbm>>, %arg4: memref<32x25x128x32xf32, #tpu.memory_space<hbm>>, %arg5: memref<25x128xi32, #tpu.memory_space<vmem>>, %arg6: memref<25x128x32xf32, #tpu.memory_space<vmem>>, %arg7: memref<!tpu.dma_semaphore, #tpu.memory_space<semaphore_mem>>) attributes {dimension_semantics = [#tpu.dimension_semantics<core_parallel>, #tpu.dimension_semantics<subcore_parallel>], iteration_bounds = array<i64: 2, 16>, scalar_prefetch = 0 : i64, scratch_operands = 3 : i64, tpu.core_type = #tpu.core_type<sc_vector_subcore>, window_params = [{transform_indices = #map}, {transform_indices = #map1}, {transform_indices = #map2}]} {
    %mul3A = arith.constant 2 : i32
    %mul3A_0 = arith.muli %arg1, %mul3A : i32
    %add3A = arith.addi %mul3A_0, %arg0 : i32
    "tpu.region"() ({
      %run_scoped3A = tpu.sem_alloc : memref<!tpu.dma_semaphore, #tpu.memory_space<semaphore_mem>>
      %dma_start3A_599 = arith.constant 0 : i32
      %dma_start3A_600 = arith.constant 0 : i32
      %dma_start3A_601 = tpu.memref_slice %arg2[%add3A, %dma_start3A_599, %dma_start3A_600] : memref<32x25x128xi32, #tpu.memory_space<hbm>> -> memref<1x25x128xi32, #tpu.memory_space<hbm>>
      %dma_start3A_602 = tpu.memref_squeeze %dma_start3A_601 : memref<1x25x128xi32, #tpu.memory_space<hbm>> -> memref<25x128xi32, #tpu.memory_space<hbm>>
      %dma_start3A_603 = arith.constant 0 : i32
      %dma_start3A_604 = arith.constant 0 : i32
      %dma_start3A_605 = tpu.memref_slice %arg2[%add3A, %dma_start3A_603, %dma_start3A_604] : memref<32x25x128xi32, #tpu.memory_space<hbm>> -> memref<1x25x128xi32, #tpu.memory_space<hbm>>
      %dma_start3A_606 = tpu.memref_squeeze %dma_start3A_605 : memref<1x25x128xi32, #tpu.memory_space<hbm>> -> memref<25x128xi32, #tpu.memory_space<hbm>>
      tpu.enqueue_dma source(%dma_start3A_606 : memref<25x128xi32, #tpu.memory_space<hbm>>) target(%arg5 : memref<25x128xi32, #tpu.memory_space<vmem>>) target_semaphore(%run_scoped3A : memref<!tpu.dma_semaphore, #tpu.memory_space<semaphore_mem>>)
      %dma_wait3A_607 = arith.constant 0 : i32
      %dma_wait3A_608 = arith.constant 0 : i32
      %dma_wait3A_609 = tpu.memref_slice %arg2[%add3A, %dma_wait3A_607, %dma_wait3A_608] : memref<32x25x128xi32, #tpu.memory_space<hbm>> -> memref<1x25x128xi32, #tpu.memory_space<hbm>>
      %dma_wait3A_610 = tpu.memref_squeeze %dma_wait3A_609 : memref<1x25x128xi32, #tpu.memory_space<hbm>> -> memref<25x128xi32, #tpu.memory_space<hbm>>
      %dma_wait3A_611 = arith.constant 0 : i32
      %dma_wait3A_612 = arith.constant 0 : i32
      %dma_wait3A_613 = tpu.memref_slice %arg2[%add3A, %dma_wait3A_611, %dma_wait3A_612] : memref<32x25x128xi32, #tpu.memory_space<hbm>> -> memref<1x25x128xi32, #tpu.memory_space<hbm>>
      %dma_wait3A_614 = tpu.memref_squeeze %dma_wait3A_613 : memref<1x25x128xi32, #tpu.memory_space<hbm>> -> memref<25x128xi32, #tpu.memory_space<hbm>>
      tpu.wait_dma2 semaphore(%run_scoped3A : memref<!tpu.dma_semaphore, #tpu.memory_space<semaphore_mem>>) src(%dma_wait3A_614 : memref<25x128xi32, #tpu.memory_space<hbm>>) dst(%arg5 : memref<25x128xi32, #tpu.memory_space<vmem>>)
      tpu.yield
    }) : () -> ()
    %dma_start3A = arith.constant 0 : i32
    %dma_start3A_1 = arith.constant 0 : i32
    %dma_start3A_2 = arith.constant 0 : i32
    %dma_start3A_3 = arith.constant 0 : i32
    %dma_start3A_4 = tpu.memref_slice %arg6[%dma_start3A_1, %dma_start3A_2, %dma_start3A_3] : memref<25x128x32xf32, #tpu.memory_space<vmem>> -> memref<1x128x32xf32, #tpu.memory_space<vmem>>
    %dma_start3A_5 = tpu.memref_squeeze %dma_start3A_4 : memref<1x128x32xf32, #tpu.memory_space<vmem>> -> memref<128x32xf32, #tpu.memory_space<vmem>>
    %dma_start3A_6 = arith.constant 0 : i32
    %dma_start3A_7 = tpu.memref_slice %arg5[%dma_start3A, %dma_start3A_6] : memref<25x128xi32, #tpu.memory_space<vmem>> -> memref<1x128xi32, #tpu.memory_space<vmem>>
    %dma_start3A_8 = tpu.memref_squeeze %dma_start3A_7 : memref<1x128xi32, #tpu.memory_space<vmem>> -> memref<128xi32, #tpu.memory_space<vmem>>
    %dma_start3A_9 = arith.constant 0 : i32
    %dma_start3A_10 = arith.constant 0 : i32
    %dma_start3A_11 = tpu.memref_slice %arg3[%dma_start3A_9, %dma_start3A_10] : memref<1000000x32xf32, #tpu.memory_space<hbm>> -> memref<1000000x32xf32, #tpu.memory_space<hbm>>
    tpu.enqueue_indirect_dma source(%dma_start3A_11 : memref<1000000x32xf32, #tpu.memory_space<hbm>>) target(%dma_start3A_5 : memref<128x32xf32, #tpu.memory_space<vmem>>) offsets(%dma_start3A_8 : memref<128xi32, #tpu.memory_space<vmem>>) semaphore(%arg7 : memref<!tpu.dma_semaphore, #tpu.memory_space<semaphore_mem>>)
    %dma_start3A_12 = arith.constant 1 : i32
    %dma_start3A_13 = arith.constant 1 : i32
    %dma_start3A_14 = arith.constant 0 : i32
    %dma_start3A_15 = arith.constant 0 : i32
    %dma_start3A_16 = tpu.memref_slice %arg6[%dma_start3A_13, %dma_start3A_14, %dma_start3A_15] : memref<25x128x32xf32, #tpu.memory_space<vmem>> -> memref<1x128x32xf32, #tpu.memory_space<vmem>>
    %dma_start3A_17 = tpu.memref_squeeze %dma_start3A_16 : memref<1x128x32xf32, #tpu.memory_space<vmem>> -> memref<128x32xf32, #tpu.memory_space<vmem>>
    %dma_start3A_18 = arith.constant 0 : i32
    %dma_start3A_19 = tpu.memref_slice %arg5[%dma_start3A_12, %dma_start3A_18] : memref<25x128xi32, #tpu.memory_space<vmem>> -> memref<1x128xi32, #tpu.memory_space<vmem>>
    %dma_start3A_20 = tpu.memref_squeeze %dma_start3A_19 : memref<1x128xi32, #tpu.memory_space<vmem>> -> memref<128xi32, #tpu.memory_space<vmem>>
    %dma_start3A_21 = arith.constant 0 : i32
    %dma_start3A_22 = arith.constant 0 : i32
    %dma_start3A_23 = tpu.memref_slice %arg3[%dma_start3A_21, %dma_start3A_22] : memref<1000000x32xf32, #tpu.memory_space<hbm>> -> memref<1000000x32xf32, #tpu.memory_space<hbm>>
    tpu.enqueue_indirect_dma source(%dma_start3A_23 : memref<1000000x32xf32, #tpu.memory_space<hbm>>) target(%dma_start3A_17 : memref<128x32xf32, #tpu.memory_space<vmem>>) offsets(%dma_start3A_20 : memref<128xi32, #tpu.memory_space<vmem>>) semaphore(%arg7 : memref<!tpu.dma_semaphore, #tpu.memory_space<semaphore_mem>>)
    %dma_start3A_24 = arith.constant 2 : i32
    %dma_start3A_25 = arith.constant 2 : i32
    %dma_start3A_26 = arith.constant 0 : i32
    %dma_start3A_27 = arith.constant 0 : i32
    %dma_start3A_28 = tpu.memref_slice %arg6[%dma_start3A_25, %dma_start3A_26, %dma_start3A_27] : memref<25x128x32xf32, #tpu.memory_space<vmem>> -> memref<1x128x32xf32, #tpu.memory_space<vmem>>
    %dma_start3A_29 = tpu.memref_squeeze %dma_start3A_28 : memref<1x128x32xf32, #tpu.memory_space<vmem>> -> memref<128x32xf32, #tpu.memory_space<vmem>>
    %dma_start3A_30 = arith.constant 0 : i32
    %dma_start3A_31 = tpu.memref_slice %arg5[%dma_start3A_24, %dma_start3A_30] : memref<25x128xi32, #tpu.memory_space<vmem>> -> memref<1x128xi32, #tpu.memory_space<vmem>>
    %dma_start3A_32 = tpu.memref_squeeze %dma_start3A_31 : memref<1x128xi32, #tpu.memory_space<vmem>> -> memref<128xi32, #tpu.memory_space<vmem>>
    %dma_start3A_33 = arith.constant 0 : i32
    %dma_start3A_34 = arith.constant 0 : i32
    %dma_start3A_35 = tpu.memref_slice %arg3[%dma_start3A_33, %dma_start3A_34] : memref<1000000x32xf32, #tpu.memory_space<hbm>> -> memref<1000000x32xf32, #tpu.memory_space<hbm>>
    tpu.enqueue_indirect_dma source(%dma_start3A_35 : memref<1000000x32xf32, #tpu.memory_space<hbm>>) target(%dma_start3A_29 : memref<128x32xf32, #tpu.memory_space<vmem>>) offsets(%dma_start3A_32 : memref<128xi32, #tpu.memory_space<vmem>>) semaphore(%arg7 : memref<!tpu.dma_semaphore, #tpu.memory_space<semaphore_mem>>)
    %dma_start3A_36 = arith.constant 3 : i32
    %dma_start3A_37 = arith.constant 3 : i32
    %dma_start3A_38 = arith.constant 0 : i32
    %dma_start3A_39 = arith.constant 0 : i32
    %dma_start3A_40 = tpu.memref_slice %arg6[%dma_start3A_37, %dma_start3A_38, %dma_start3A_39] : memref<25x128x32xf32, #tpu.memory_space<vmem>> -> memref<1x128x32xf32, #tpu.memory_space<vmem>>
    %dma_start3A_41 = tpu.memref_squeeze %dma_start3A_40 : memref<1x128x32xf32, #tpu.memory_space<vmem>> -> memref<128x32xf32, #tpu.memory_space<vmem>>
    %dma_start3A_42 = arith.constant 0 : i32
    %dma_start3A_43 = tpu.memref_slice %arg5[%dma_start3A_36, %dma_start3A_42] : memref<25x128xi32, #tpu.memory_space<vmem>> -> memref<1x128xi32, #tpu.memory_space<vmem>>
    %dma_start3A_44 = tpu.memref_squeeze %dma_start3A_43 : memref<1x128xi32, #tpu.memory_space<vmem>> -> memref<128xi32, #tpu.memory_space<vmem>>
    %dma_start3A_45 = arith.constant 0 : i32
    %dma_start3A_46 = arith.constant 0 : i32
    %dma_start3A_47 = tpu.memref_slice %arg3[%dma_start3A_45, %dma_start3A_46] : memref<1000000x32xf32, #tpu.memory_space<hbm>> -> memref<1000000x32xf32, #tpu.memory_space<hbm>>
    tpu.enqueue_indirect_dma source(%dma_start3A_47 : memref<1000000x32xf32, #tpu.memory_space<hbm>>) target(%dma_start3A_41 : memref<128x32xf32, #tpu.memory_space<vmem>>) offsets(%dma_start3A_44 : memref<128xi32, #tpu.memory_space<vmem>>) semaphore(%arg7 : memref<!tpu.dma_semaphore, #tpu.memory_space<semaphore_mem>>)
    %dma_start3A_48 = arith.constant 4 : i32
    %dma_start3A_49 = arith.constant 4 : i32
    %dma_start3A_50 = arith.constant 0 : i32
    %dma_start3A_51 = arith.constant 0 : i32
    %dma_start3A_52 = tpu.memref_slice %arg6[%dma_start3A_49, %dma_start3A_50, %dma_start3A_51] : memref<25x128x32xf32, #tpu.memory_space<vmem>> -> memref<1x128x32xf32, #tpu.memory_space<vmem>>
    %dma_start3A_53 = tpu.memref_squeeze %dma_start3A_52 : memref<1x128x32xf32, #tpu.memory_space<vmem>> -> memref<128x32xf32, #tpu.memory_space<vmem>>
    %dma_start3A_54 = arith.constant 0 : i32
    %dma_start3A_55 = tpu.memref_slice %arg5[%dma_start3A_48, %dma_start3A_54] : memref<25x128xi32, #tpu.memory_space<vmem>> -> memref<1x128xi32, #tpu.memory_space<vmem>>
    %dma_start3A_56 = tpu.memref_squeeze %dma_start3A_55 : memref<1x128xi32, #tpu.memory_space<vmem>> -> memref<128xi32, #tpu.memory_space<vmem>>
    %dma_start3A_57 = arith.constant 0 : i32
    %dma_start3A_58 = arith.constant 0 : i32
    %dma_start3A_59 = tpu.memref_slice %arg3[%dma_start3A_57, %dma_start3A_58] : memref<1000000x32xf32, #tpu.memory_space<hbm>> -> memref<1000000x32xf32, #tpu.memory_space<hbm>>
    tpu.enqueue_indirect_dma source(%dma_start3A_59 : memref<1000000x32xf32, #tpu.memory_space<hbm>>) target(%dma_start3A_53 : memref<128x32xf32, #tpu.memory_space<vmem>>) offsets(%dma_start3A_56 : memref<128xi32, #tpu.memory_space<vmem>>) semaphore(%arg7 : memref<!tpu.dma_semaphore, #tpu.memory_space<semaphore_mem>>)
    %dma_start3A_60 = arith.constant 5 : i32
    %dma_start3A_61 = arith.constant 5 : i32
    %dma_start3A_62 = arith.constant 0 : i32
    %dma_start3A_63 = arith.constant 0 : i32
    %dma_start3A_64 = tpu.memref_slice %arg6[%dma_start3A_61, %dma_start3A_62, %dma_start3A_63] : memref<25x128x32xf32, #tpu.memory_space<vmem>> -> memref<1x128x32xf32, #tpu.memory_space<vmem>>
    %dma_start3A_65 = tpu.memref_squeeze %dma_start3A_64 : memref<1x128x32xf32, #tpu.memory_space<vmem>> -> memref<128x32xf32, #tpu.memory_space<vmem>>
    %dma_start3A_66 = arith.constant 0 : i32
    %dma_start3A_67 = tpu.memref_slice %arg5[%dma_start3A_60, %dma_start3A_66] : memref<25x128xi32, #tpu.memory_space<vmem>> -> memref<1x128xi32, #tpu.memory_space<vmem>>
    %dma_start3A_68 = tpu.memref_squeeze %dma_start3A_67 : memref<1x128xi32, #tpu.memory_space<vmem>> -> memref<128xi32, #tpu.memory_space<vmem>>
    %dma_start3A_69 = arith.constant 0 : i32
    %dma_start3A_70 = arith.constant 0 : i32
    %dma_start3A_71 = tpu.memref_slice %arg3[%dma_start3A_69, %dma_start3A_70] : memref<1000000x32xf32, #tpu.memory_space<hbm>> -> memref<1000000x32xf32, #tpu.memory_space<hbm>>
    tpu.enqueue_indirect_dma source(%dma_start3A_71 : memref<1000000x32xf32, #tpu.memory_space<hbm>>) target(%dma_start3A_65 : memref<128x32xf32, #tpu.memory_space<vmem>>) offsets(%dma_start3A_68 : memref<128xi32, #tpu.memory_space<vmem>>) semaphore(%arg7 : memref<!tpu.dma_semaphore, #tpu.memory_space<semaphore_mem>>)
    %dma_start3A_72 = arith.constant 6 : i32
    %dma_start3A_73 = arith.constant 6 : i32
    %dma_start3A_74 = arith.constant 0 : i32
    %dma_start3A_75 = arith.constant 0 : i32
    %dma_start3A_76 = tpu.memref_slice %arg6[%dma_start3A_73, %dma_start3A_74, %dma_start3A_75] : memref<25x128x32xf32, #tpu.memory_space<vmem>> -> memref<1x128x32xf32, #tpu.memory_space<vmem>>
    %dma_start3A_77 = tpu.memref_squeeze %dma_start3A_76 : memref<1x128x32xf32, #tpu.memory_space<vmem>> -> memref<128x32xf32, #tpu.memory_space<vmem>>
    %dma_start3A_78 = arith.constant 0 : i32
    %dma_start3A_79 = tpu.memref_slice %arg5[%dma_start3A_72, %dma_start3A_78] : memref<25x128xi32, #tpu.memory_space<vmem>> -> memref<1x128xi32, #tpu.memory_space<vmem>>
    %dma_start3A_80 = tpu.memref_squeeze %dma_start3A_79 : memref<1x128xi32, #tpu.memory_space<vmem>> -> memref<128xi32, #tpu.memory_space<vmem>>
    %dma_start3A_81 = arith.constant 0 : i32
    %dma_start3A_82 = arith.constant 0 : i32
    %dma_start3A_83 = tpu.memref_slice %arg3[%dma_start3A_81, %dma_start3A_82] : memref<1000000x32xf32, #tpu.memory_space<hbm>> -> memref<1000000x32xf32, #tpu.memory_space<hbm>>
    tpu.enqueue_indirect_dma source(%dma_start3A_83 : memref<1000000x32xf32, #tpu.memory_space<hbm>>) target(%dma_start3A_77 : memref<128x32xf32, #tpu.memory_space<vmem>>) offsets(%dma_start3A_80 : memref<128xi32, #tpu.memory_space<vmem>>) semaphore(%arg7 : memref<!tpu.dma_semaphore, #tpu.memory_space<semaphore_mem>>)
    %dma_start3A_84 = arith.constant 7 : i32
    %dma_start3A_85 = arith.constant 7 : i32
    %dma_start3A_86 = arith.constant 0 : i32
    %dma_start3A_87 = arith.constant 0 : i32
    %dma_start3A_88 = tpu.memref_slice %arg6[%dma_start3A_85, %dma_start3A_86, %dma_start3A_87] : memref<25x128x32xf32, #tpu.memory_space<vmem>> -> memref<1x128x32xf32, #tpu.memory_space<vmem>>
    %dma_start3A_89 = tpu.memref_squeeze %dma_start3A_88 : memref<1x128x32xf32, #tpu.memory_space<vmem>> -> memref<128x32xf32, #tpu.memory_space<vmem>>
    %dma_start3A_90 = arith.constant 0 : i32
    %dma_start3A_91 = tpu.memref_slice %arg5[%dma_start3A_84, %dma_start3A_90] : memref<25x128xi32, #tpu.memory_space<vmem>> -> memref<1x128xi32, #tpu.memory_space<vmem>>
    %dma_start3A_92 = tpu.memref_squeeze %dma_start3A_91 : memref<1x128xi32, #tpu.memory_space<vmem>> -> memref<128xi32, #tpu.memory_space<vmem>>
    %dma_start3A_93 = arith.constant 0 : i32
    %dma_start3A_94 = arith.constant 0 : i32
    %dma_start3A_95 = tpu.memref_slice %arg3[%dma_start3A_93, %dma_start3A_94] : memref<1000000x32xf32, #tpu.memory_space<hbm>> -> memref<1000000x32xf32, #tpu.memory_space<hbm>>
    tpu.enqueue_indirect_dma source(%dma_start3A_95 : memref<1000000x32xf32, #tpu.memory_space<hbm>>) target(%dma_start3A_89 : memref<128x32xf32, #tpu.memory_space<vmem>>) offsets(%dma_start3A_92 : memref<128xi32, #tpu.memory_space<vmem>>) semaphore(%arg7 : memref<!tpu.dma_semaphore, #tpu.memory_space<semaphore_mem>>)
    %dma_start3A_96 = arith.constant 8 : i32
    %dma_start3A_97 = arith.constant 8 : i32
    %dma_start3A_98 = arith.constant 0 : i32
    %dma_start3A_99 = arith.constant 0 : i32
    %dma_start3A_100 = tpu.memref_slice %arg6[%dma_start3A_97, %dma_start3A_98, %dma_start3A_99] : memref<25x128x32xf32, #tpu.memory_space<vmem>> -> memref<1x128x32xf32, #tpu.memory_space<vmem>>
    %dma_start3A_101 = tpu.memref_squeeze %dma_start3A_100 : memref<1x128x32xf32, #tpu.memory_space<vmem>> -> memref<128x32xf32, #tpu.memory_space<vmem>>
    %dma_start3A_102 = arith.constant 0 : i32
    %dma_start3A_103 = tpu.memref_slice %arg5[%dma_start3A_96, %dma_start3A_102] : memref<25x128xi32, #tpu.memory_space<vmem>> -> memref<1x128xi32, #tpu.memory_space<vmem>>
    %dma_start3A_104 = tpu.memref_squeeze %dma_start3A_103 : memref<1x128xi32, #tpu.memory_space<vmem>> -> memref<128xi32, #tpu.memory_space<vmem>>
    %dma_start3A_105 = arith.constant 0 : i32
    %dma_start3A_106 = arith.constant 0 : i32
    %dma_start3A_107 = tpu.memref_slice %arg3[%dma_start3A_105, %dma_start3A_106] : memref<1000000x32xf32, #tpu.memory_space<hbm>> -> memref<1000000x32xf32, #tpu.memory_space<hbm>>
    tpu.enqueue_indirect_dma source(%dma_start3A_107 : memref<1000000x32xf32, #tpu.memory_space<hbm>>) target(%dma_start3A_101 : memref<128x32xf32, #tpu.memory_space<vmem>>) offsets(%dma_start3A_104 : memref<128xi32, #tpu.memory_space<vmem>>) semaphore(%arg7 : memref<!tpu.dma_semaphore, #tpu.memory_space<semaphore_mem>>)
    %dma_start3A_108 = arith.constant 9 : i32
    %dma_start3A_109 = arith.constant 9 : i32
    %dma_start3A_110 = arith.constant 0 : i32
    %dma_start3A_111 = arith.constant 0 : i32
    %dma_start3A_112 = tpu.memref_slice %arg6[%dma_start3A_109, %dma_start3A_110, %dma_start3A_111] : memref<25x128x32xf32, #tpu.memory_space<vmem>> -> memref<1x128x32xf32, #tpu.memory_space<vmem>>
    %dma_start3A_113 = tpu.memref_squeeze %dma_start3A_112 : memref<1x128x32xf32, #tpu.memory_space<vmem>> -> memref<128x32xf32, #tpu.memory_space<vmem>>
    %dma_start3A_114 = arith.constant 0 : i32
    %dma_start3A_115 = tpu.memref_slice %arg5[%dma_start3A_108, %dma_start3A_114] : memref<25x128xi32, #tpu.memory_space<vmem>> -> memref<1x128xi32, #tpu.memory_space<vmem>>
    %dma_start3A_116 = tpu.memref_squeeze %dma_start3A_115 : memref<1x128xi32, #tpu.memory_space<vmem>> -> memref<128xi32, #tpu.memory_space<vmem>>
    %dma_start3A_117 = arith.constant 0 : i32
    %dma_start3A_118 = arith.constant 0 : i32
    %dma_start3A_119 = tpu.memref_slice %arg3[%dma_start3A_117, %dma_start3A_118] : memref<1000000x32xf32, #tpu.memory_space<hbm>> -> memref<1000000x32xf32, #tpu.memory_space<hbm>>
    tpu.enqueue_indirect_dma source(%dma_start3A_119 : memref<1000000x32xf32, #tpu.memory_space<hbm>>) target(%dma_start3A_113 : memref<128x32xf32, #tpu.memory_space<vmem>>) offsets(%dma_start3A_116 : memref<128xi32, #tpu.memory_space<vmem>>) semaphore(%arg7 : memref<!tpu.dma_semaphore, #tpu.memory_space<semaphore_mem>>)
    %dma_start3A_120 = arith.constant 10 : i32
    %dma_start3A_121 = arith.constant 10 : i32
    %dma_start3A_122 = arith.constant 0 : i32
    %dma_start3A_123 = arith.constant 0 : i32
    %dma_start3A_124 = tpu.memref_slice %arg6[%dma_start3A_121, %dma_start3A_122, %dma_start3A_123] : memref<25x128x32xf32, #tpu.memory_space<vmem>> -> memref<1x128x32xf32, #tpu.memory_space<vmem>>
    %dma_start3A_125 = tpu.memref_squeeze %dma_start3A_124 : memref<1x128x32xf32, #tpu.memory_space<vmem>> -> memref<128x32xf32, #tpu.memory_space<vmem>>
    %dma_start3A_126 = arith.constant 0 : i32
    %dma_start3A_127 = tpu.memref_slice %arg5[%dma_start3A_120, %dma_start3A_126] : memref<25x128xi32, #tpu.memory_space<vmem>> -> memref<1x128xi32, #tpu.memory_space<vmem>>
    %dma_start3A_128 = tpu.memref_squeeze %dma_start3A_127 : memref<1x128xi32, #tpu.memory_space<vmem>> -> memref<128xi32, #tpu.memory_space<vmem>>
    %dma_start3A_129 = arith.constant 0 : i32
    %dma_start3A_130 = arith.constant 0 : i32
    %dma_start3A_131 = tpu.memref_slice %arg3[%dma_start3A_129, %dma_start3A_130] : memref<1000000x32xf32, #tpu.memory_space<hbm>> -> memref<1000000x32xf32, #tpu.memory_space<hbm>>
    tpu.enqueue_indirect_dma source(%dma_start3A_131 : memref<1000000x32xf32, #tpu.memory_space<hbm>>) target(%dma_start3A_125 : memref<128x32xf32, #tpu.memory_space<vmem>>) offsets(%dma_start3A_128 : memref<128xi32, #tpu.memory_space<vmem>>) semaphore(%arg7 : memref<!tpu.dma_semaphore, #tpu.memory_space<semaphore_mem>>)
    %dma_start3A_132 = arith.constant 11 : i32
    %dma_start3A_133 = arith.constant 11 : i32
    %dma_start3A_134 = arith.constant 0 : i32
    %dma_start3A_135 = arith.constant 0 : i32
    %dma_start3A_136 = tpu.memref_slice %arg6[%dma_start3A_133, %dma_start3A_134, %dma_start3A_135] : memref<25x128x32xf32, #tpu.memory_space<vmem>> -> memref<1x128x32xf32, #tpu.memory_space<vmem>>
    %dma_start3A_137 = tpu.memref_squeeze %dma_start3A_136 : memref<1x128x32xf32, #tpu.memory_space<vmem>> -> memref<128x32xf32, #tpu.memory_space<vmem>>
    %dma_start3A_138 = arith.constant 0 : i32
    %dma_start3A_139 = tpu.memref_slice %arg5[%dma_start3A_132, %dma_start3A_138] : memref<25x128xi32, #tpu.memory_space<vmem>> -> memref<1x128xi32, #tpu.memory_space<vmem>>
    %dma_start3A_140 = tpu.memref_squeeze %dma_start3A_139 : memref<1x128xi32, #tpu.memory_space<vmem>> -> memref<128xi32, #tpu.memory_space<vmem>>
    %dma_start3A_141 = arith.constant 0 : i32
    %dma_start3A_142 = arith.constant 0 : i32
    %dma_start3A_143 = tpu.memref_slice %arg3[%dma_start3A_141, %dma_start3A_142] : memref<1000000x32xf32, #tpu.memory_space<hbm>> -> memref<1000000x32xf32, #tpu.memory_space<hbm>>
    tpu.enqueue_indirect_dma source(%dma_start3A_143 : memref<1000000x32xf32, #tpu.memory_space<hbm>>) target(%dma_start3A_137 : memref<128x32xf32, #tpu.memory_space<vmem>>) offsets(%dma_start3A_140 : memref<128xi32, #tpu.memory_space<vmem>>) semaphore(%arg7 : memref<!tpu.dma_semaphore, #tpu.memory_space<semaphore_mem>>)
    %dma_start3A_144 = arith.constant 12 : i32
    %dma_start3A_145 = arith.constant 12 : i32
    %dma_start3A_146 = arith.constant 0 : i32
    %dma_start3A_147 = arith.constant 0 : i32
    %dma_start3A_148 = tpu.memref_slice %arg6[%dma_start3A_145, %dma_start3A_146, %dma_start3A_147] : memref<25x128x32xf32, #tpu.memory_space<vmem>> -> memref<1x128x32xf32, #tpu.memory_space<vmem>>
    %dma_start3A_149 = tpu.memref_squeeze %dma_start3A_148 : memref<1x128x32xf32, #tpu.memory_space<vmem>> -> memref<128x32xf32, #tpu.memory_space<vmem>>
    %dma_start3A_150 = arith.constant 0 : i32
    %dma_start3A_151 = tpu.memref_slice %arg5[%dma_start3A_144, %dma_start3A_150] : memref<25x128xi32, #tpu.memory_space<vmem>> -> memref<1x128xi32, #tpu.memory_space<vmem>>
    %dma_start3A_152 = tpu.memref_squeeze %dma_start3A_151 : memref<1x128xi32, #tpu.memory_space<vmem>> -> memref<128xi32, #tpu.memory_space<vmem>>
    %dma_start3A_153 = arith.constant 0 : i32
    %dma_start3A_154 = arith.constant 0 : i32
    %dma_start3A_155 = tpu.memref_slice %arg3[%dma_start3A_153, %dma_start3A_154] : memref<1000000x32xf32, #tpu.memory_space<hbm>> -> memref<1000000x32xf32, #tpu.memory_space<hbm>>
    tpu.enqueue_indirect_dma source(%dma_start3A_155 : memref<1000000x32xf32, #tpu.memory_space<hbm>>) target(%dma_start3A_149 : memref<128x32xf32, #tpu.memory_space<vmem>>) offsets(%dma_start3A_152 : memref<128xi32, #tpu.memory_space<vmem>>) semaphore(%arg7 : memref<!tpu.dma_semaphore, #tpu.memory_space<semaphore_mem>>)
    %dma_start3A_156 = arith.constant 13 : i32
    %dma_start3A_157 = arith.constant 13 : i32
    %dma_start3A_158 = arith.constant 0 : i32
    %dma_start3A_159 = arith.constant 0 : i32
    %dma_start3A_160 = tpu.memref_slice %arg6[%dma_start3A_157, %dma_start3A_158, %dma_start3A_159] : memref<25x128x32xf32, #tpu.memory_space<vmem>> -> memref<1x128x32xf32, #tpu.memory_space<vmem>>
    %dma_start3A_161 = tpu.memref_squeeze %dma_start3A_160 : memref<1x128x32xf32, #tpu.memory_space<vmem>> -> memref<128x32xf32, #tpu.memory_space<vmem>>
    %dma_start3A_162 = arith.constant 0 : i32
    %dma_start3A_163 = tpu.memref_slice %arg5[%dma_start3A_156, %dma_start3A_162] : memref<25x128xi32, #tpu.memory_space<vmem>> -> memref<1x128xi32, #tpu.memory_space<vmem>>
    %dma_start3A_164 = tpu.memref_squeeze %dma_start3A_163 : memref<1x128xi32, #tpu.memory_space<vmem>> -> memref<128xi32, #tpu.memory_space<vmem>>
    %dma_start3A_165 = arith.constant 0 : i32
    %dma_start3A_166 = arith.constant 0 : i32
    %dma_start3A_167 = tpu.memref_slice %arg3[%dma_start3A_165, %dma_start3A_166] : memref<1000000x32xf32, #tpu.memory_space<hbm>> -> memref<1000000x32xf32, #tpu.memory_space<hbm>>
    tpu.enqueue_indirect_dma source(%dma_start3A_167 : memref<1000000x32xf32, #tpu.memory_space<hbm>>) target(%dma_start3A_161 : memref<128x32xf32, #tpu.memory_space<vmem>>) offsets(%dma_start3A_164 : memref<128xi32, #tpu.memory_space<vmem>>) semaphore(%arg7 : memref<!tpu.dma_semaphore, #tpu.memory_space<semaphore_mem>>)
    %dma_start3A_168 = arith.constant 14 : i32
    %dma_start3A_169 = arith.constant 14 : i32
    %dma_start3A_170 = arith.constant 0 : i32
    %dma_start3A_171 = arith.constant 0 : i32
    %dma_start3A_172 = tpu.memref_slice %arg6[%dma_start3A_169, %dma_start3A_170, %dma_start3A_171] : memref<25x128x32xf32, #tpu.memory_space<vmem>> -> memref<1x128x32xf32, #tpu.memory_space<vmem>>
    %dma_start3A_173 = tpu.memref_squeeze %dma_start3A_172 : memref<1x128x32xf32, #tpu.memory_space<vmem>> -> memref<128x32xf32, #tpu.memory_space<vmem>>
    %dma_start3A_174 = arith.constant 0 : i32
    %dma_start3A_175 = tpu.memref_slice %arg5[%dma_start3A_168, %dma_start3A_174] : memref<25x128xi32, #tpu.memory_space<vmem>> -> memref<1x128xi32, #tpu.memory_space<vmem>>
    %dma_start3A_176 = tpu.memref_squeeze %dma_start3A_175 : memref<1x128xi32, #tpu.memory_space<vmem>> -> memref<128xi32, #tpu.memory_space<vmem>>
    %dma_start3A_177 = arith.constant 0 : i32
    %dma_start3A_178 = arith.constant 0 : i32
    %dma_start3A_179 = tpu.memref_slice %arg3[%dma_start3A_177, %dma_start3A_178] : memref<1000000x32xf32, #tpu.memory_space<hbm>> -> memref<1000000x32xf32, #tpu.memory_space<hbm>>
    tpu.enqueue_indirect_dma source(%dma_start3A_179 : memref<1000000x32xf32, #tpu.memory_space<hbm>>) target(%dma_start3A_173 : memref<128x32xf32, #tpu.memory_space<vmem>>) offsets(%dma_start3A_176 : memref<128xi32, #tpu.memory_space<vmem>>) semaphore(%arg7 : memref<!tpu.dma_semaphore, #tpu.memory_space<semaphore_mem>>)
    %dma_start3A_180 = arith.constant 15 : i32
    %dma_start3A_181 = arith.constant 15 : i32
    %dma_start3A_182 = arith.constant 0 : i32
    %dma_start3A_183 = arith.constant 0 : i32
    %dma_start3A_184 = tpu.memref_slice %arg6[%dma_start3A_181, %dma_start3A_182, %dma_start3A_183] : memref<25x128x32xf32, #tpu.memory_space<vmem>> -> memref<1x128x32xf32, #tpu.memory_space<vmem>>
    %dma_start3A_185 = tpu.memref_squeeze %dma_start3A_184 : memref<1x128x32xf32, #tpu.memory_space<vmem>> -> memref<128x32xf32, #tpu.memory_space<vmem>>
    %dma_start3A_186 = arith.constant 0 : i32
    %dma_start3A_187 = tpu.memref_slice %arg5[%dma_start3A_180, %dma_start3A_186] : memref<25x128xi32, #tpu.memory_space<vmem>> -> memref<1x128xi32, #tpu.memory_space<vmem>>
    %dma_start3A_188 = tpu.memref_squeeze %dma_start3A_187 : memref<1x128xi32, #tpu.memory_space<vmem>> -> memref<128xi32, #tpu.memory_space<vmem>>
    %dma_start3A_189 = arith.constant 0 : i32
    %dma_start3A_190 = arith.constant 0 : i32
    %dma_start3A_191 = tpu.memref_slice %arg3[%dma_start3A_189, %dma_start3A_190] : memref<1000000x32xf32, #tpu.memory_space<hbm>> -> memref<1000000x32xf32, #tpu.memory_space<hbm>>
    tpu.enqueue_indirect_dma source(%dma_start3A_191 : memref<1000000x32xf32, #tpu.memory_space<hbm>>) target(%dma_start3A_185 : memref<128x32xf32, #tpu.memory_space<vmem>>) offsets(%dma_start3A_188 : memref<128xi32, #tpu.memory_space<vmem>>) semaphore(%arg7 : memref<!tpu.dma_semaphore, #tpu.memory_space<semaphore_mem>>)
    %dma_start3A_192 = arith.constant 16 : i32
    %dma_start3A_193 = arith.constant 16 : i32
    %dma_start3A_194 = arith.constant 0 : i32
    %dma_start3A_195 = arith.constant 0 : i32
    %dma_start3A_196 = tpu.memref_slice %arg6[%dma_start3A_193, %dma_start3A_194, %dma_start3A_195] : memref<25x128x32xf32, #tpu.memory_space<vmem>> -> memref<1x128x32xf32, #tpu.memory_space<vmem>>
    %dma_start3A_197 = tpu.memref_squeeze %dma_start3A_196 : memref<1x128x32xf32, #tpu.memory_space<vmem>> -> memref<128x32xf32, #tpu.memory_space<vmem>>
    %dma_start3A_198 = arith.constant 0 : i32
    %dma_start3A_199 = tpu.memref_slice %arg5[%dma_start3A_192, %dma_start3A_198] : memref<25x128xi32, #tpu.memory_space<vmem>> -> memref<1x128xi32, #tpu.memory_space<vmem>>
    %dma_start3A_200 = tpu.memref_squeeze %dma_start3A_199 : memref<1x128xi32, #tpu.memory_space<vmem>> -> memref<128xi32, #tpu.memory_space<vmem>>
    %dma_start3A_201 = arith.constant 0 : i32
    %dma_start3A_202 = arith.constant 0 : i32
    %dma_start3A_203 = tpu.memref_slice %arg3[%dma_start3A_201, %dma_start3A_202] : memref<1000000x32xf32, #tpu.memory_space<hbm>> -> memref<1000000x32xf32, #tpu.memory_space<hbm>>
    tpu.enqueue_indirect_dma source(%dma_start3A_203 : memref<1000000x32xf32, #tpu.memory_space<hbm>>) target(%dma_start3A_197 : memref<128x32xf32, #tpu.memory_space<vmem>>) offsets(%dma_start3A_200 : memref<128xi32, #tpu.memory_space<vmem>>) semaphore(%arg7 : memref<!tpu.dma_semaphore, #tpu.memory_space<semaphore_mem>>)
    %dma_start3A_204 = arith.constant 17 : i32
    %dma_start3A_205 = arith.constant 17 : i32
    %dma_start3A_206 = arith.constant 0 : i32
    %dma_start3A_207 = arith.constant 0 : i32
    %dma_start3A_208 = tpu.memref_slice %arg6[%dma_start3A_205, %dma_start3A_206, %dma_start3A_207] : memref<25x128x32xf32, #tpu.memory_space<vmem>> -> memref<1x128x32xf32, #tpu.memory_space<vmem>>
    %dma_start3A_209 = tpu.memref_squeeze %dma_start3A_208 : memref<1x128x32xf32, #tpu.memory_space<vmem>> -> memref<128x32xf32, #tpu.memory_space<vmem>>
    %dma_start3A_210 = arith.constant 0 : i32
    %dma_start3A_211 = tpu.memref_slice %arg5[%dma_start3A_204, %dma_start3A_210] : memref<25x128xi32, #tpu.memory_space<vmem>> -> memref<1x128xi32, #tpu.memory_space<vmem>>
    %dma_start3A_212 = tpu.memref_squeeze %dma_start3A_211 : memref<1x128xi32, #tpu.memory_space<vmem>> -> memref<128xi32, #tpu.memory_space<vmem>>
    %dma_start3A_213 = arith.constant 0 : i32
    %dma_start3A_214 = arith.constant 0 : i32
    %dma_start3A_215 = tpu.memref_slice %arg3[%dma_start3A_213, %dma_start3A_214] : memref<1000000x32xf32, #tpu.memory_space<hbm>> -> memref<1000000x32xf32, #tpu.memory_space<hbm>>
    tpu.enqueue_indirect_dma source(%dma_start3A_215 : memref<1000000x32xf32, #tpu.memory_space<hbm>>) target(%dma_start3A_209 : memref<128x32xf32, #tpu.memory_space<vmem>>) offsets(%dma_start3A_212 : memref<128xi32, #tpu.memory_space<vmem>>) semaphore(%arg7 : memref<!tpu.dma_semaphore, #tpu.memory_space<semaphore_mem>>)
    %dma_start3A_216 = arith.constant 18 : i32
    %dma_start3A_217 = arith.constant 18 : i32
    %dma_start3A_218 = arith.constant 0 : i32
    %dma_start3A_219 = arith.constant 0 : i32
    %dma_start3A_220 = tpu.memref_slice %arg6[%dma_start3A_217, %dma_start3A_218, %dma_start3A_219] : memref<25x128x32xf32, #tpu.memory_space<vmem>> -> memref<1x128x32xf32, #tpu.memory_space<vmem>>
    %dma_start3A_221 = tpu.memref_squeeze %dma_start3A_220 : memref<1x128x32xf32, #tpu.memory_space<vmem>> -> memref<128x32xf32, #tpu.memory_space<vmem>>
    %dma_start3A_222 = arith.constant 0 : i32
    %dma_start3A_223 = tpu.memref_slice %arg5[%dma_start3A_216, %dma_start3A_222] : memref<25x128xi32, #tpu.memory_space<vmem>> -> memref<1x128xi32, #tpu.memory_space<vmem>>
    %dma_start3A_224 = tpu.memref_squeeze %dma_start3A_223 : memref<1x128xi32, #tpu.memory_space<vmem>> -> memref<128xi32, #tpu.memory_space<vmem>>
    %dma_start3A_225 = arith.constant 0 : i32
    %dma_start3A_226 = arith.constant 0 : i32
    %dma_start3A_227 = tpu.memref_slice %arg3[%dma_start3A_225, %dma_start3A_226] : memref<1000000x32xf32, #tpu.memory_space<hbm>> -> memref<1000000x32xf32, #tpu.memory_space<hbm>>
    tpu.enqueue_indirect_dma source(%dma_start3A_227 : memref<1000000x32xf32, #tpu.memory_space<hbm>>) target(%dma_start3A_221 : memref<128x32xf32, #tpu.memory_space<vmem>>) offsets(%dma_start3A_224 : memref<128xi32, #tpu.memory_space<vmem>>) semaphore(%arg7 : memref<!tpu.dma_semaphore, #tpu.memory_space<semaphore_mem>>)
    %dma_start3A_228 = arith.constant 19 : i32
    %dma_start3A_229 = arith.constant 19 : i32
    %dma_start3A_230 = arith.constant 0 : i32
    %dma_start3A_231 = arith.constant 0 : i32
    %dma_start3A_232 = tpu.memref_slice %arg6[%dma_start3A_229, %dma_start3A_230, %dma_start3A_231] : memref<25x128x32xf32, #tpu.memory_space<vmem>> -> memref<1x128x32xf32, #tpu.memory_space<vmem>>
    %dma_start3A_233 = tpu.memref_squeeze %dma_start3A_232 : memref<1x128x32xf32, #tpu.memory_space<vmem>> -> memref<128x32xf32, #tpu.memory_space<vmem>>
    %dma_start3A_234 = arith.constant 0 : i32
    %dma_start3A_235 = tpu.memref_slice %arg5[%dma_start3A_228, %dma_start3A_234] : memref<25x128xi32, #tpu.memory_space<vmem>> -> memref<1x128xi32, #tpu.memory_space<vmem>>
    %dma_start3A_236 = tpu.memref_squeeze %dma_start3A_235 : memref<1x128xi32, #tpu.memory_space<vmem>> -> memref<128xi32, #tpu.memory_space<vmem>>
    %dma_start3A_237 = arith.constant 0 : i32
    %dma_start3A_238 = arith.constant 0 : i32
    %dma_start3A_239 = tpu.memref_slice %arg3[%dma_start3A_237, %dma_start3A_238] : memref<1000000x32xf32, #tpu.memory_space<hbm>> -> memref<1000000x32xf32, #tpu.memory_space<hbm>>
    tpu.enqueue_indirect_dma source(%dma_start3A_239 : memref<1000000x32xf32, #tpu.memory_space<hbm>>) target(%dma_start3A_233 : memref<128x32xf32, #tpu.memory_space<vmem>>) offsets(%dma_start3A_236 : memref<128xi32, #tpu.memory_space<vmem>>) semaphore(%arg7 : memref<!tpu.dma_semaphore, #tpu.memory_space<semaphore_mem>>)
    %dma_start3A_240 = arith.constant 20 : i32
    %dma_start3A_241 = arith.constant 20 : i32
    %dma_start3A_242 = arith.constant 0 : i32
    %dma_start3A_243 = arith.constant 0 : i32
    %dma_start3A_244 = tpu.memref_slice %arg6[%dma_start3A_241, %dma_start3A_242, %dma_start3A_243] : memref<25x128x32xf32, #tpu.memory_space<vmem>> -> memref<1x128x32xf32, #tpu.memory_space<vmem>>
    %dma_start3A_245 = tpu.memref_squeeze %dma_start3A_244 : memref<1x128x32xf32, #tpu.memory_space<vmem>> -> memref<128x32xf32, #tpu.memory_space<vmem>>
    %dma_start3A_246 = arith.constant 0 : i32
    %dma_start3A_247 = tpu.memref_slice %arg5[%dma_start3A_240, %dma_start3A_246] : memref<25x128xi32, #tpu.memory_space<vmem>> -> memref<1x128xi32, #tpu.memory_space<vmem>>
    %dma_start3A_248 = tpu.memref_squeeze %dma_start3A_247 : memref<1x128xi32, #tpu.memory_space<vmem>> -> memref<128xi32, #tpu.memory_space<vmem>>
    %dma_start3A_249 = arith.constant 0 : i32
    %dma_start3A_250 = arith.constant 0 : i32
    %dma_start3A_251 = tpu.memref_slice %arg3[%dma_start3A_249, %dma_start3A_250] : memref<1000000x32xf32, #tpu.memory_space<hbm>> -> memref<1000000x32xf32, #tpu.memory_space<hbm>>
    tpu.enqueue_indirect_dma source(%dma_start3A_251 : memref<1000000x32xf32, #tpu.memory_space<hbm>>) target(%dma_start3A_245 : memref<128x32xf32, #tpu.memory_space<vmem>>) offsets(%dma_start3A_248 : memref<128xi32, #tpu.memory_space<vmem>>) semaphore(%arg7 : memref<!tpu.dma_semaphore, #tpu.memory_space<semaphore_mem>>)
    %dma_start3A_252 = arith.constant 21 : i32
    %dma_start3A_253 = arith.constant 21 : i32
    %dma_start3A_254 = arith.constant 0 : i32
    %dma_start3A_255 = arith.constant 0 : i32
    %dma_start3A_256 = tpu.memref_slice %arg6[%dma_start3A_253, %dma_start3A_254, %dma_start3A_255] : memref<25x128x32xf32, #tpu.memory_space<vmem>> -> memref<1x128x32xf32, #tpu.memory_space<vmem>>
    %dma_start3A_257 = tpu.memref_squeeze %dma_start3A_256 : memref<1x128x32xf32, #tpu.memory_space<vmem>> -> memref<128x32xf32, #tpu.memory_space<vmem>>
    %dma_start3A_258 = arith.constant 0 : i32
    %dma_start3A_259 = tpu.memref_slice %arg5[%dma_start3A_252, %dma_start3A_258] : memref<25x128xi32, #tpu.memory_space<vmem>> -> memref<1x128xi32, #tpu.memory_space<vmem>>
    %dma_start3A_260 = tpu.memref_squeeze %dma_start3A_259 : memref<1x128xi32, #tpu.memory_space<vmem>> -> memref<128xi32, #tpu.memory_space<vmem>>
    %dma_start3A_261 = arith.constant 0 : i32
    %dma_start3A_262 = arith.constant 0 : i32
    %dma_start3A_263 = tpu.memref_slice %arg3[%dma_start3A_261, %dma_start3A_262] : memref<1000000x32xf32, #tpu.memory_space<hbm>> -> memref<1000000x32xf32, #tpu.memory_space<hbm>>
    tpu.enqueue_indirect_dma source(%dma_start3A_263 : memref<1000000x32xf32, #tpu.memory_space<hbm>>) target(%dma_start3A_257 : memref<128x32xf32, #tpu.memory_space<vmem>>) offsets(%dma_start3A_260 : memref<128xi32, #tpu.memory_space<vmem>>) semaphore(%arg7 : memref<!tpu.dma_semaphore, #tpu.memory_space<semaphore_mem>>)
    %dma_start3A_264 = arith.constant 22 : i32
    %dma_start3A_265 = arith.constant 22 : i32
    %dma_start3A_266 = arith.constant 0 : i32
    %dma_start3A_267 = arith.constant 0 : i32
    %dma_start3A_268 = tpu.memref_slice %arg6[%dma_start3A_265, %dma_start3A_266, %dma_start3A_267] : memref<25x128x32xf32, #tpu.memory_space<vmem>> -> memref<1x128x32xf32, #tpu.memory_space<vmem>>
    %dma_start3A_269 = tpu.memref_squeeze %dma_start3A_268 : memref<1x128x32xf32, #tpu.memory_space<vmem>> -> memref<128x32xf32, #tpu.memory_space<vmem>>
    %dma_start3A_270 = arith.constant 0 : i32
    %dma_start3A_271 = tpu.memref_slice %arg5[%dma_start3A_264, %dma_start3A_270] : memref<25x128xi32, #tpu.memory_space<vmem>> -> memref<1x128xi32, #tpu.memory_space<vmem>>
    %dma_start3A_272 = tpu.memref_squeeze %dma_start3A_271 : memref<1x128xi32, #tpu.memory_space<vmem>> -> memref<128xi32, #tpu.memory_space<vmem>>
    %dma_start3A_273 = arith.constant 0 : i32
    %dma_start3A_274 = arith.constant 0 : i32
    %dma_start3A_275 = tpu.memref_slice %arg3[%dma_start3A_273, %dma_start3A_274] : memref<1000000x32xf32, #tpu.memory_space<hbm>> -> memref<1000000x32xf32, #tpu.memory_space<hbm>>
    tpu.enqueue_indirect_dma source(%dma_start3A_275 : memref<1000000x32xf32, #tpu.memory_space<hbm>>) target(%dma_start3A_269 : memref<128x32xf32, #tpu.memory_space<vmem>>) offsets(%dma_start3A_272 : memref<128xi32, #tpu.memory_space<vmem>>) semaphore(%arg7 : memref<!tpu.dma_semaphore, #tpu.memory_space<semaphore_mem>>)
    %dma_start3A_276 = arith.constant 23 : i32
    %dma_start3A_277 = arith.constant 23 : i32
    %dma_start3A_278 = arith.constant 0 : i32
    %dma_start3A_279 = arith.constant 0 : i32
    %dma_start3A_280 = tpu.memref_slice %arg6[%dma_start3A_277, %dma_start3A_278, %dma_start3A_279] : memref<25x128x32xf32, #tpu.memory_space<vmem>> -> memref<1x128x32xf32, #tpu.memory_space<vmem>>
    %dma_start3A_281 = tpu.memref_squeeze %dma_start3A_280 : memref<1x128x32xf32, #tpu.memory_space<vmem>> -> memref<128x32xf32, #tpu.memory_space<vmem>>
    %dma_start3A_282 = arith.constant 0 : i32
    %dma_start3A_283 = tpu.memref_slice %arg5[%dma_start3A_276, %dma_start3A_282] : memref<25x128xi32, #tpu.memory_space<vmem>> -> memref<1x128xi32, #tpu.memory_space<vmem>>
    %dma_start3A_284 = tpu.memref_squeeze %dma_start3A_283 : memref<1x128xi32, #tpu.memory_space<vmem>> -> memref<128xi32, #tpu.memory_space<vmem>>
    %dma_start3A_285 = arith.constant 0 : i32
    %dma_start3A_286 = arith.constant 0 : i32
    %dma_start3A_287 = tpu.memref_slice %arg3[%dma_start3A_285, %dma_start3A_286] : memref<1000000x32xf32, #tpu.memory_space<hbm>> -> memref<1000000x32xf32, #tpu.memory_space<hbm>>
    tpu.enqueue_indirect_dma source(%dma_start3A_287 : memref<1000000x32xf32, #tpu.memory_space<hbm>>) target(%dma_start3A_281 : memref<128x32xf32, #tpu.memory_space<vmem>>) offsets(%dma_start3A_284 : memref<128xi32, #tpu.memory_space<vmem>>) semaphore(%arg7 : memref<!tpu.dma_semaphore, #tpu.memory_space<semaphore_mem>>)
    %dma_start3A_288 = arith.constant 24 : i32
    %dma_start3A_289 = arith.constant 24 : i32
    %dma_start3A_290 = arith.constant 0 : i32
    %dma_start3A_291 = arith.constant 0 : i32
    %dma_start3A_292 = tpu.memref_slice %arg6[%dma_start3A_289, %dma_start3A_290, %dma_start3A_291] : memref<25x128x32xf32, #tpu.memory_space<vmem>> -> memref<1x128x32xf32, #tpu.memory_space<vmem>>
    %dma_start3A_293 = tpu.memref_squeeze %dma_start3A_292 : memref<1x128x32xf32, #tpu.memory_space<vmem>> -> memref<128x32xf32, #tpu.memory_space<vmem>>
    %dma_start3A_294 = arith.constant 0 : i32
    %dma_start3A_295 = tpu.memref_slice %arg5[%dma_start3A_288, %dma_start3A_294] : memref<25x128xi32, #tpu.memory_space<vmem>> -> memref<1x128xi32, #tpu.memory_space<vmem>>
    %dma_start3A_296 = tpu.memref_squeeze %dma_start3A_295 : memref<1x128xi32, #tpu.memory_space<vmem>> -> memref<128xi32, #tpu.memory_space<vmem>>
    %dma_start3A_297 = arith.constant 0 : i32
    %dma_start3A_298 = arith.constant 0 : i32
    %dma_start3A_299 = tpu.memref_slice %arg3[%dma_start3A_297, %dma_start3A_298] : memref<1000000x32xf32, #tpu.memory_space<hbm>> -> memref<1000000x32xf32, #tpu.memory_space<hbm>>
    tpu.enqueue_indirect_dma source(%dma_start3A_299 : memref<1000000x32xf32, #tpu.memory_space<hbm>>) target(%dma_start3A_293 : memref<128x32xf32, #tpu.memory_space<vmem>>) offsets(%dma_start3A_296 : memref<128xi32, #tpu.memory_space<vmem>>) semaphore(%arg7 : memref<!tpu.dma_semaphore, #tpu.memory_space<semaphore_mem>>)
    %dma_wait3A = arith.constant 0 : i32
    %dma_wait3A_300 = arith.constant 0 : i32
    %dma_wait3A_301 = arith.constant 0 : i32
    %dma_wait3A_302 = arith.constant 0 : i32
    %dma_wait3A_303 = tpu.memref_slice %arg6[%dma_wait3A_300, %dma_wait3A_301, %dma_wait3A_302] : memref<25x128x32xf32, #tpu.memory_space<vmem>> -> memref<1x128x32xf32, #tpu.memory_space<vmem>>
    %dma_wait3A_304 = tpu.memref_squeeze %dma_wait3A_303 : memref<1x128x32xf32, #tpu.memory_space<vmem>> -> memref<128x32xf32, #tpu.memory_space<vmem>>
    %dma_wait3A_305 = arith.constant 0 : i32
    %dma_wait3A_306 = tpu.memref_slice %arg5[%dma_wait3A, %dma_wait3A_305] : memref<25x128xi32, #tpu.memory_space<vmem>> -> memref<1x128xi32, #tpu.memory_space<vmem>>
    %dma_wait3A_307 = tpu.memref_squeeze %dma_wait3A_306 : memref<1x128xi32, #tpu.memory_space<vmem>> -> memref<128xi32, #tpu.memory_space<vmem>>
    %dma_wait3A_308 = arith.constant 0 : i32
    %dma_wait3A_309 = arith.constant 0 : i32
    %dma_wait3A_310 = tpu.memref_slice %arg3[%dma_wait3A_308, %dma_wait3A_309] : memref<1000000x32xf32, #tpu.memory_space<hbm>> -> memref<1000000x32xf32, #tpu.memory_space<hbm>>
    tpu.wait_indirect_dma semaphore(%arg7 : memref<!tpu.dma_semaphore, #tpu.memory_space<semaphore_mem>>) src(%dma_wait3A_310 : memref<1000000x32xf32, #tpu.memory_space<hbm>>) dst(%dma_wait3A_304 : memref<128x32xf32, #tpu.memory_space<vmem>>)
    %dma_wait3A_311 = arith.constant 1 : i32
    %dma_wait3A_312 = arith.constant 1 : i32
    %dma_wait3A_313 = arith.constant 0 : i32
    %dma_wait3A_314 = arith.constant 0 : i32
    %dma_wait3A_315 = tpu.memref_slice %arg6[%dma_wait3A_312, %dma_wait3A_313, %dma_wait3A_314] : memref<25x128x32xf32, #tpu.memory_space<vmem>> -> memref<1x128x32xf32, #tpu.memory_space<vmem>>
    %dma_wait3A_316 = tpu.memref_squeeze %dma_wait3A_315 : memref<1x128x32xf32, #tpu.memory_space<vmem>> -> memref<128x32xf32, #tpu.memory_space<vmem>>
    %dma_wait3A_317 = arith.constant 0 : i32
    %dma_wait3A_318 = tpu.memref_slice %arg5[%dma_wait3A_311, %dma_wait3A_317] : memref<25x128xi32, #tpu.memory_space<vmem>> -> memref<1x128xi32, #tpu.memory_space<vmem>>
    %dma_wait3A_319 = tpu.memref_squeeze %dma_wait3A_318 : memref<1x128xi32, #tpu.memory_space<vmem>> -> memref<128xi32, #tpu.memory_space<vmem>>
    %dma_wait3A_320 = arith.constant 0 : i32
    %dma_wait3A_321 = arith.constant 0 : i32
    %dma_wait3A_322 = tpu.memref_slice %arg3[%dma_wait3A_320, %dma_wait3A_321] : memref<1000000x32xf32, #tpu.memory_space<hbm>> -> memref<1000000x32xf32, #tpu.memory_space<hbm>>
    tpu.wait_indirect_dma semaphore(%arg7 : memref<!tpu.dma_semaphore, #tpu.memory_space<semaphore_mem>>) src(%dma_wait3A_322 : memref<1000000x32xf32, #tpu.memory_space<hbm>>) dst(%dma_wait3A_316 : memref<128x32xf32, #tpu.memory_space<vmem>>)
    %dma_wait3A_323 = arith.constant 2 : i32
    %dma_wait3A_324 = arith.constant 2 : i32
    %dma_wait3A_325 = arith.constant 0 : i32
    %dma_wait3A_326 = arith.constant 0 : i32
    %dma_wait3A_327 = tpu.memref_slice %arg6[%dma_wait3A_324, %dma_wait3A_325, %dma_wait3A_326] : memref<25x128x32xf32, #tpu.memory_space<vmem>> -> memref<1x128x32xf32, #tpu.memory_space<vmem>>
    %dma_wait3A_328 = tpu.memref_squeeze %dma_wait3A_327 : memref<1x128x32xf32, #tpu.memory_space<vmem>> -> memref<128x32xf32, #tpu.memory_space<vmem>>
    %dma_wait3A_329 = arith.constant 0 : i32
    %dma_wait3A_330 = tpu.memref_slice %arg5[%dma_wait3A_323, %dma_wait3A_329] : memref<25x128xi32, #tpu.memory_space<vmem>> -> memref<1x128xi32, #tpu.memory_space<vmem>>
    %dma_wait3A_331 = tpu.memref_squeeze %dma_wait3A_330 : memref<1x128xi32, #tpu.memory_space<vmem>> -> memref<128xi32, #tpu.memory_space<vmem>>
    %dma_wait3A_332 = arith.constant 0 : i32
    %dma_wait3A_333 = arith.constant 0 : i32
    %dma_wait3A_334 = tpu.memref_slice %arg3[%dma_wait3A_332, %dma_wait3A_333] : memref<1000000x32xf32, #tpu.memory_space<hbm>> -> memref<1000000x32xf32, #tpu.memory_space<hbm>>
    tpu.wait_indirect_dma semaphore(%arg7 : memref<!tpu.dma_semaphore, #tpu.memory_space<semaphore_mem>>) src(%dma_wait3A_334 : memref<1000000x32xf32, #tpu.memory_space<hbm>>) dst(%dma_wait3A_328 : memref<128x32xf32, #tpu.memory_space<vmem>>)
    %dma_wait3A_335 = arith.constant 3 : i32
    %dma_wait3A_336 = arith.constant 3 : i32
    %dma_wait3A_337 = arith.constant 0 : i32
    %dma_wait3A_338 = arith.constant 0 : i32
    %dma_wait3A_339 = tpu.memref_slice %arg6[%dma_wait3A_336, %dma_wait3A_337, %dma_wait3A_338] : memref<25x128x32xf32, #tpu.memory_space<vmem>> -> memref<1x128x32xf32, #tpu.memory_space<vmem>>
    %dma_wait3A_340 = tpu.memref_squeeze %dma_wait3A_339 : memref<1x128x32xf32, #tpu.memory_space<vmem>> -> memref<128x32xf32, #tpu.memory_space<vmem>>
    %dma_wait3A_341 = arith.constant 0 : i32
    %dma_wait3A_342 = tpu.memref_slice %arg5[%dma_wait3A_335, %dma_wait3A_341] : memref<25x128xi32, #tpu.memory_space<vmem>> -> memref<1x128xi32, #tpu.memory_space<vmem>>
    %dma_wait3A_343 = tpu.memref_squeeze %dma_wait3A_342 : memref<1x128xi32, #tpu.memory_space<vmem>> -> memref<128xi32, #tpu.memory_space<vmem>>
    %dma_wait3A_344 = arith.constant 0 : i32
    %dma_wait3A_345 = arith.constant 0 : i32
    %dma_wait3A_346 = tpu.memref_slice %arg3[%dma_wait3A_344, %dma_wait3A_345] : memref<1000000x32xf32, #tpu.memory_space<hbm>> -> memref<1000000x32xf32, #tpu.memory_space<hbm>>
    tpu.wait_indirect_dma semaphore(%arg7 : memref<!tpu.dma_semaphore, #tpu.memory_space<semaphore_mem>>) src(%dma_wait3A_346 : memref<1000000x32xf32, #tpu.memory_space<hbm>>) dst(%dma_wait3A_340 : memref<128x32xf32, #tpu.memory_space<vmem>>)
    %dma_wait3A_347 = arith.constant 4 : i32
    %dma_wait3A_348 = arith.constant 4 : i32
    %dma_wait3A_349 = arith.constant 0 : i32
    %dma_wait3A_350 = arith.constant 0 : i32
    %dma_wait3A_351 = tpu.memref_slice %arg6[%dma_wait3A_348, %dma_wait3A_349, %dma_wait3A_350] : memref<25x128x32xf32, #tpu.memory_space<vmem>> -> memref<1x128x32xf32, #tpu.memory_space<vmem>>
    %dma_wait3A_352 = tpu.memref_squeeze %dma_wait3A_351 : memref<1x128x32xf32, #tpu.memory_space<vmem>> -> memref<128x32xf32, #tpu.memory_space<vmem>>
    %dma_wait3A_353 = arith.constant 0 : i32
    %dma_wait3A_354 = tpu.memref_slice %arg5[%dma_wait3A_347, %dma_wait3A_353] : memref<25x128xi32, #tpu.memory_space<vmem>> -> memref<1x128xi32, #tpu.memory_space<vmem>>
    %dma_wait3A_355 = tpu.memref_squeeze %dma_wait3A_354 : memref<1x128xi32, #tpu.memory_space<vmem>> -> memref<128xi32, #tpu.memory_space<vmem>>
    %dma_wait3A_356 = arith.constant 0 : i32
    %dma_wait3A_357 = arith.constant 0 : i32
    %dma_wait3A_358 = tpu.memref_slice %arg3[%dma_wait3A_356, %dma_wait3A_357] : memref<1000000x32xf32, #tpu.memory_space<hbm>> -> memref<1000000x32xf32, #tpu.memory_space<hbm>>
    tpu.wait_indirect_dma semaphore(%arg7 : memref<!tpu.dma_semaphore, #tpu.memory_space<semaphore_mem>>) src(%dma_wait3A_358 : memref<1000000x32xf32, #tpu.memory_space<hbm>>) dst(%dma_wait3A_352 : memref<128x32xf32, #tpu.memory_space<vmem>>)
    %dma_wait3A_359 = arith.constant 5 : i32
    %dma_wait3A_360 = arith.constant 5 : i32
    %dma_wait3A_361 = arith.constant 0 : i32
    %dma_wait3A_362 = arith.constant 0 : i32
    %dma_wait3A_363 = tpu.memref_slice %arg6[%dma_wait3A_360, %dma_wait3A_361, %dma_wait3A_362] : memref<25x128x32xf32, #tpu.memory_space<vmem>> -> memref<1x128x32xf32, #tpu.memory_space<vmem>>
    %dma_wait3A_364 = tpu.memref_squeeze %dma_wait3A_363 : memref<1x128x32xf32, #tpu.memory_space<vmem>> -> memref<128x32xf32, #tpu.memory_space<vmem>>
    %dma_wait3A_365 = arith.constant 0 : i32
    %dma_wait3A_366 = tpu.memref_slice %arg5[%dma_wait3A_359, %dma_wait3A_365] : memref<25x128xi32, #tpu.memory_space<vmem>> -> memref<1x128xi32, #tpu.memory_space<vmem>>
    %dma_wait3A_367 = tpu.memref_squeeze %dma_wait3A_366 : memref<1x128xi32, #tpu.memory_space<vmem>> -> memref<128xi32, #tpu.memory_space<vmem>>
    %dma_wait3A_368 = arith.constant 0 : i32
    %dma_wait3A_369 = arith.constant 0 : i32
    %dma_wait3A_370 = tpu.memref_slice %arg3[%dma_wait3A_368, %dma_wait3A_369] : memref<1000000x32xf32, #tpu.memory_space<hbm>> -> memref<1000000x32xf32, #tpu.memory_space<hbm>>
    tpu.wait_indirect_dma semaphore(%arg7 : memref<!tpu.dma_semaphore, #tpu.memory_space<semaphore_mem>>) src(%dma_wait3A_370 : memref<1000000x32xf32, #tpu.memory_space<hbm>>) dst(%dma_wait3A_364 : memref<128x32xf32, #tpu.memory_space<vmem>>)
    %dma_wait3A_371 = arith.constant 6 : i32
    %dma_wait3A_372 = arith.constant 6 : i32
    %dma_wait3A_373 = arith.constant 0 : i32
    %dma_wait3A_374 = arith.constant 0 : i32
    %dma_wait3A_375 = tpu.memref_slice %arg6[%dma_wait3A_372, %dma_wait3A_373, %dma_wait3A_374] : memref<25x128x32xf32, #tpu.memory_space<vmem>> -> memref<1x128x32xf32, #tpu.memory_space<vmem>>
    %dma_wait3A_376 = tpu.memref_squeeze %dma_wait3A_375 : memref<1x128x32xf32, #tpu.memory_space<vmem>> -> memref<128x32xf32, #tpu.memory_space<vmem>>
    %dma_wait3A_377 = arith.constant 0 : i32
    %dma_wait3A_378 = tpu.memref_slice %arg5[%dma_wait3A_371, %dma_wait3A_377] : memref<25x128xi32, #tpu.memory_space<vmem>> -> memref<1x128xi32, #tpu.memory_space<vmem>>
    %dma_wait3A_379 = tpu.memref_squeeze %dma_wait3A_378 : memref<1x128xi32, #tpu.memory_space<vmem>> -> memref<128xi32, #tpu.memory_space<vmem>>
    %dma_wait3A_380 = arith.constant 0 : i32
    %dma_wait3A_381 = arith.constant 0 : i32
    %dma_wait3A_382 = tpu.memref_slice %arg3[%dma_wait3A_380, %dma_wait3A_381] : memref<1000000x32xf32, #tpu.memory_space<hbm>> -> memref<1000000x32xf32, #tpu.memory_space<hbm>>
    tpu.wait_indirect_dma semaphore(%arg7 : memref<!tpu.dma_semaphore, #tpu.memory_space<semaphore_mem>>) src(%dma_wait3A_382 : memref<1000000x32xf32, #tpu.memory_space<hbm>>) dst(%dma_wait3A_376 : memref<128x32xf32, #tpu.memory_space<vmem>>)
    %dma_wait3A_383 = arith.constant 7 : i32
    %dma_wait3A_384 = arith.constant 7 : i32
    %dma_wait3A_385 = arith.constant 0 : i32
    %dma_wait3A_386 = arith.constant 0 : i32
    %dma_wait3A_387 = tpu.memref_slice %arg6[%dma_wait3A_384, %dma_wait3A_385, %dma_wait3A_386] : memref<25x128x32xf32, #tpu.memory_space<vmem>> -> memref<1x128x32xf32, #tpu.memory_space<vmem>>
    %dma_wait3A_388 = tpu.memref_squeeze %dma_wait3A_387 : memref<1x128x32xf32, #tpu.memory_space<vmem>> -> memref<128x32xf32, #tpu.memory_space<vmem>>
    %dma_wait3A_389 = arith.constant 0 : i32
    %dma_wait3A_390 = tpu.memref_slice %arg5[%dma_wait3A_383, %dma_wait3A_389] : memref<25x128xi32, #tpu.memory_space<vmem>> -> memref<1x128xi32, #tpu.memory_space<vmem>>
    %dma_wait3A_391 = tpu.memref_squeeze %dma_wait3A_390 : memref<1x128xi32, #tpu.memory_space<vmem>> -> memref<128xi32, #tpu.memory_space<vmem>>
    %dma_wait3A_392 = arith.constant 0 : i32
    %dma_wait3A_393 = arith.constant 0 : i32
    %dma_wait3A_394 = tpu.memref_slice %arg3[%dma_wait3A_392, %dma_wait3A_393] : memref<1000000x32xf32, #tpu.memory_space<hbm>> -> memref<1000000x32xf32, #tpu.memory_space<hbm>>
    tpu.wait_indirect_dma semaphore(%arg7 : memref<!tpu.dma_semaphore, #tpu.memory_space<semaphore_mem>>) src(%dma_wait3A_394 : memref<1000000x32xf32, #tpu.memory_space<hbm>>) dst(%dma_wait3A_388 : memref<128x32xf32, #tpu.memory_space<vmem>>)
    %dma_wait3A_395 = arith.constant 8 : i32
    %dma_wait3A_396 = arith.constant 8 : i32
    %dma_wait3A_397 = arith.constant 0 : i32
    %dma_wait3A_398 = arith.constant 0 : i32
    %dma_wait3A_399 = tpu.memref_slice %arg6[%dma_wait3A_396, %dma_wait3A_397, %dma_wait3A_398] : memref<25x128x32xf32, #tpu.memory_space<vmem>> -> memref<1x128x32xf32, #tpu.memory_space<vmem>>
    %dma_wait3A_400 = tpu.memref_squeeze %dma_wait3A_399 : memref<1x128x32xf32, #tpu.memory_space<vmem>> -> memref<128x32xf32, #tpu.memory_space<vmem>>
    %dma_wait3A_401 = arith.constant 0 : i32
    %dma_wait3A_402 = tpu.memref_slice %arg5[%dma_wait3A_395, %dma_wait3A_401] : memref<25x128xi32, #tpu.memory_space<vmem>> -> memref<1x128xi32, #tpu.memory_space<vmem>>
    %dma_wait3A_403 = tpu.memref_squeeze %dma_wait3A_402 : memref<1x128xi32, #tpu.memory_space<vmem>> -> memref<128xi32, #tpu.memory_space<vmem>>
    %dma_wait3A_404 = arith.constant 0 : i32
    %dma_wait3A_405 = arith.constant 0 : i32
    %dma_wait3A_406 = tpu.memref_slice %arg3[%dma_wait3A_404, %dma_wait3A_405] : memref<1000000x32xf32, #tpu.memory_space<hbm>> -> memref<1000000x32xf32, #tpu.memory_space<hbm>>
    tpu.wait_indirect_dma semaphore(%arg7 : memref<!tpu.dma_semaphore, #tpu.memory_space<semaphore_mem>>) src(%dma_wait3A_406 : memref<1000000x32xf32, #tpu.memory_space<hbm>>) dst(%dma_wait3A_400 : memref<128x32xf32, #tpu.memory_space<vmem>>)
    %dma_wait3A_407 = arith.constant 9 : i32
    %dma_wait3A_408 = arith.constant 9 : i32
    %dma_wait3A_409 = arith.constant 0 : i32
    %dma_wait3A_410 = arith.constant 0 : i32
    %dma_wait3A_411 = tpu.memref_slice %arg6[%dma_wait3A_408, %dma_wait3A_409, %dma_wait3A_410] : memref<25x128x32xf32, #tpu.memory_space<vmem>> -> memref<1x128x32xf32, #tpu.memory_space<vmem>>
    %dma_wait3A_412 = tpu.memref_squeeze %dma_wait3A_411 : memref<1x128x32xf32, #tpu.memory_space<vmem>> -> memref<128x32xf32, #tpu.memory_space<vmem>>
    %dma_wait3A_413 = arith.constant 0 : i32
    %dma_wait3A_414 = tpu.memref_slice %arg5[%dma_wait3A_407, %dma_wait3A_413] : memref<25x128xi32, #tpu.memory_space<vmem>> -> memref<1x128xi32, #tpu.memory_space<vmem>>
    %dma_wait3A_415 = tpu.memref_squeeze %dma_wait3A_414 : memref<1x128xi32, #tpu.memory_space<vmem>> -> memref<128xi32, #tpu.memory_space<vmem>>
    %dma_wait3A_416 = arith.constant 0 : i32
    %dma_wait3A_417 = arith.constant 0 : i32
    %dma_wait3A_418 = tpu.memref_slice %arg3[%dma_wait3A_416, %dma_wait3A_417] : memref<1000000x32xf32, #tpu.memory_space<hbm>> -> memref<1000000x32xf32, #tpu.memory_space<hbm>>
    tpu.wait_indirect_dma semaphore(%arg7 : memref<!tpu.dma_semaphore, #tpu.memory_space<semaphore_mem>>) src(%dma_wait3A_418 : memref<1000000x32xf32, #tpu.memory_space<hbm>>) dst(%dma_wait3A_412 : memref<128x32xf32, #tpu.memory_space<vmem>>)
    %dma_wait3A_419 = arith.constant 10 : i32
    %dma_wait3A_420 = arith.constant 10 : i32
    %dma_wait3A_421 = arith.constant 0 : i32
    %dma_wait3A_422 = arith.constant 0 : i32
    %dma_wait3A_423 = tpu.memref_slice %arg6[%dma_wait3A_420, %dma_wait3A_421, %dma_wait3A_422] : memref<25x128x32xf32, #tpu.memory_space<vmem>> -> memref<1x128x32xf32, #tpu.memory_space<vmem>>
    %dma_wait3A_424 = tpu.memref_squeeze %dma_wait3A_423 : memref<1x128x32xf32, #tpu.memory_space<vmem>> -> memref<128x32xf32, #tpu.memory_space<vmem>>
    %dma_wait3A_425 = arith.constant 0 : i32
    %dma_wait3A_426 = tpu.memref_slice %arg5[%dma_wait3A_419, %dma_wait3A_425] : memref<25x128xi32, #tpu.memory_space<vmem>> -> memref<1x128xi32, #tpu.memory_space<vmem>>
    %dma_wait3A_427 = tpu.memref_squeeze %dma_wait3A_426 : memref<1x128xi32, #tpu.memory_space<vmem>> -> memref<128xi32, #tpu.memory_space<vmem>>
    %dma_wait3A_428 = arith.constant 0 : i32
    %dma_wait3A_429 = arith.constant 0 : i32
    %dma_wait3A_430 = tpu.memref_slice %arg3[%dma_wait3A_428, %dma_wait3A_429] : memref<1000000x32xf32, #tpu.memory_space<hbm>> -> memref<1000000x32xf32, #tpu.memory_space<hbm>>
    tpu.wait_indirect_dma semaphore(%arg7 : memref<!tpu.dma_semaphore, #tpu.memory_space<semaphore_mem>>) src(%dma_wait3A_430 : memref<1000000x32xf32, #tpu.memory_space<hbm>>) dst(%dma_wait3A_424 : memref<128x32xf32, #tpu.memory_space<vmem>>)
    %dma_wait3A_431 = arith.constant 11 : i32
    %dma_wait3A_432 = arith.constant 11 : i32
    %dma_wait3A_433 = arith.constant 0 : i32
    %dma_wait3A_434 = arith.constant 0 : i32
    %dma_wait3A_435 = tpu.memref_slice %arg6[%dma_wait3A_432, %dma_wait3A_433, %dma_wait3A_434] : memref<25x128x32xf32, #tpu.memory_space<vmem>> -> memref<1x128x32xf32, #tpu.memory_space<vmem>>
    %dma_wait3A_436 = tpu.memref_squeeze %dma_wait3A_435 : memref<1x128x32xf32, #tpu.memory_space<vmem>> -> memref<128x32xf32, #tpu.memory_space<vmem>>
    %dma_wait3A_437 = arith.constant 0 : i32
    %dma_wait3A_438 = tpu.memref_slice %arg5[%dma_wait3A_431, %dma_wait3A_437] : memref<25x128xi32, #tpu.memory_space<vmem>> -> memref<1x128xi32, #tpu.memory_space<vmem>>
    %dma_wait3A_439 = tpu.memref_squeeze %dma_wait3A_438 : memref<1x128xi32, #tpu.memory_space<vmem>> -> memref<128xi32, #tpu.memory_space<vmem>>
    %dma_wait3A_440 = arith.constant 0 : i32
    %dma_wait3A_441 = arith.constant 0 : i32
    %dma_wait3A_442 = tpu.memref_slice %arg3[%dma_wait3A_440, %dma_wait3A_441] : memref<1000000x32xf32, #tpu.memory_space<hbm>> -> memref<1000000x32xf32, #tpu.memory_space<hbm>>
    tpu.wait_indirect_dma semaphore(%arg7 : memref<!tpu.dma_semaphore, #tpu.memory_space<semaphore_mem>>) src(%dma_wait3A_442 : memref<1000000x32xf32, #tpu.memory_space<hbm>>) dst(%dma_wait3A_436 : memref<128x32xf32, #tpu.memory_space<vmem>>)
    %dma_wait3A_443 = arith.constant 12 : i32
    %dma_wait3A_444 = arith.constant 12 : i32
    %dma_wait3A_445 = arith.constant 0 : i32
    %dma_wait3A_446 = arith.constant 0 : i32
    %dma_wait3A_447 = tpu.memref_slice %arg6[%dma_wait3A_444, %dma_wait3A_445, %dma_wait3A_446] : memref<25x128x32xf32, #tpu.memory_space<vmem>> -> memref<1x128x32xf32, #tpu.memory_space<vmem>>
    %dma_wait3A_448 = tpu.memref_squeeze %dma_wait3A_447 : memref<1x128x32xf32, #tpu.memory_space<vmem>> -> memref<128x32xf32, #tpu.memory_space<vmem>>
    %dma_wait3A_449 = arith.constant 0 : i32
    %dma_wait3A_450 = tpu.memref_slice %arg5[%dma_wait3A_443, %dma_wait3A_449] : memref<25x128xi32, #tpu.memory_space<vmem>> -> memref<1x128xi32, #tpu.memory_space<vmem>>
    %dma_wait3A_451 = tpu.memref_squeeze %dma_wait3A_450 : memref<1x128xi32, #tpu.memory_space<vmem>> -> memref<128xi32, #tpu.memory_space<vmem>>
    %dma_wait3A_452 = arith.constant 0 : i32
    %dma_wait3A_453 = arith.constant 0 : i32
    %dma_wait3A_454 = tpu.memref_slice %arg3[%dma_wait3A_452, %dma_wait3A_453] : memref<1000000x32xf32, #tpu.memory_space<hbm>> -> memref<1000000x32xf32, #tpu.memory_space<hbm>>
    tpu.wait_indirect_dma semaphore(%arg7 : memref<!tpu.dma_semaphore, #tpu.memory_space<semaphore_mem>>) src(%dma_wait3A_454 : memref<1000000x32xf32, #tpu.memory_space<hbm>>) dst(%dma_wait3A_448 : memref<128x32xf32, #tpu.memory_space<vmem>>)
    %dma_wait3A_455 = arith.constant 13 : i32
    %dma_wait3A_456 = arith.constant 13 : i32
    %dma_wait3A_457 = arith.constant 0 : i32
    %dma_wait3A_458 = arith.constant 0 : i32
    %dma_wait3A_459 = tpu.memref_slice %arg6[%dma_wait3A_456, %dma_wait3A_457, %dma_wait3A_458] : memref<25x128x32xf32, #tpu.memory_space<vmem>> -> memref<1x128x32xf32, #tpu.memory_space<vmem>>
    %dma_wait3A_460 = tpu.memref_squeeze %dma_wait3A_459 : memref<1x128x32xf32, #tpu.memory_space<vmem>> -> memref<128x32xf32, #tpu.memory_space<vmem>>
    %dma_wait3A_461 = arith.constant 0 : i32
    %dma_wait3A_462 = tpu.memref_slice %arg5[%dma_wait3A_455, %dma_wait3A_461] : memref<25x128xi32, #tpu.memory_space<vmem>> -> memref<1x128xi32, #tpu.memory_space<vmem>>
    %dma_wait3A_463 = tpu.memref_squeeze %dma_wait3A_462 : memref<1x128xi32, #tpu.memory_space<vmem>> -> memref<128xi32, #tpu.memory_space<vmem>>
    %dma_wait3A_464 = arith.constant 0 : i32
    %dma_wait3A_465 = arith.constant 0 : i32
    %dma_wait3A_466 = tpu.memref_slice %arg3[%dma_wait3A_464, %dma_wait3A_465] : memref<1000000x32xf32, #tpu.memory_space<hbm>> -> memref<1000000x32xf32, #tpu.memory_space<hbm>>
    tpu.wait_indirect_dma semaphore(%arg7 : memref<!tpu.dma_semaphore, #tpu.memory_space<semaphore_mem>>) src(%dma_wait3A_466 : memref<1000000x32xf32, #tpu.memory_space<hbm>>) dst(%dma_wait3A_460 : memref<128x32xf32, #tpu.memory_space<vmem>>)
    %dma_wait3A_467 = arith.constant 14 : i32
    %dma_wait3A_468 = arith.constant 14 : i32
    %dma_wait3A_469 = arith.constant 0 : i32
    %dma_wait3A_470 = arith.constant 0 : i32
    %dma_wait3A_471 = tpu.memref_slice %arg6[%dma_wait3A_468, %dma_wait3A_469, %dma_wait3A_470] : memref<25x128x32xf32, #tpu.memory_space<vmem>> -> memref<1x128x32xf32, #tpu.memory_space<vmem>>
    %dma_wait3A_472 = tpu.memref_squeeze %dma_wait3A_471 : memref<1x128x32xf32, #tpu.memory_space<vmem>> -> memref<128x32xf32, #tpu.memory_space<vmem>>
    %dma_wait3A_473 = arith.constant 0 : i32
    %dma_wait3A_474 = tpu.memref_slice %arg5[%dma_wait3A_467, %dma_wait3A_473] : memref<25x128xi32, #tpu.memory_space<vmem>> -> memref<1x128xi32, #tpu.memory_space<vmem>>
    %dma_wait3A_475 = tpu.memref_squeeze %dma_wait3A_474 : memref<1x128xi32, #tpu.memory_space<vmem>> -> memref<128xi32, #tpu.memory_space<vmem>>
    %dma_wait3A_476 = arith.constant 0 : i32
    %dma_wait3A_477 = arith.constant 0 : i32
    %dma_wait3A_478 = tpu.memref_slice %arg3[%dma_wait3A_476, %dma_wait3A_477] : memref<1000000x32xf32, #tpu.memory_space<hbm>> -> memref<1000000x32xf32, #tpu.memory_space<hbm>>
    tpu.wait_indirect_dma semaphore(%arg7 : memref<!tpu.dma_semaphore, #tpu.memory_space<semaphore_mem>>) src(%dma_wait3A_478 : memref<1000000x32xf32, #tpu.memory_space<hbm>>) dst(%dma_wait3A_472 : memref<128x32xf32, #tpu.memory_space<vmem>>)
    %dma_wait3A_479 = arith.constant 15 : i32
    %dma_wait3A_480 = arith.constant 15 : i32
    %dma_wait3A_481 = arith.constant 0 : i32
    %dma_wait3A_482 = arith.constant 0 : i32
    %dma_wait3A_483 = tpu.memref_slice %arg6[%dma_wait3A_480, %dma_wait3A_481, %dma_wait3A_482] : memref<25x128x32xf32, #tpu.memory_space<vmem>> -> memref<1x128x32xf32, #tpu.memory_space<vmem>>
    %dma_wait3A_484 = tpu.memref_squeeze %dma_wait3A_483 : memref<1x128x32xf32, #tpu.memory_space<vmem>> -> memref<128x32xf32, #tpu.memory_space<vmem>>
    %dma_wait3A_485 = arith.constant 0 : i32
    %dma_wait3A_486 = tpu.memref_slice %arg5[%dma_wait3A_479, %dma_wait3A_485] : memref<25x128xi32, #tpu.memory_space<vmem>> -> memref<1x128xi32, #tpu.memory_space<vmem>>
    %dma_wait3A_487 = tpu.memref_squeeze %dma_wait3A_486 : memref<1x128xi32, #tpu.memory_space<vmem>> -> memref<128xi32, #tpu.memory_space<vmem>>
    %dma_wait3A_488 = arith.constant 0 : i32
    %dma_wait3A_489 = arith.constant 0 : i32
    %dma_wait3A_490 = tpu.memref_slice %arg3[%dma_wait3A_488, %dma_wait3A_489] : memref<1000000x32xf32, #tpu.memory_space<hbm>> -> memref<1000000x32xf32, #tpu.memory_space<hbm>>
    tpu.wait_indirect_dma semaphore(%arg7 : memref<!tpu.dma_semaphore, #tpu.memory_space<semaphore_mem>>) src(%dma_wait3A_490 : memref<1000000x32xf32, #tpu.memory_space<hbm>>) dst(%dma_wait3A_484 : memref<128x32xf32, #tpu.memory_space<vmem>>)
    %dma_wait3A_491 = arith.constant 16 : i32
    %dma_wait3A_492 = arith.constant 16 : i32
    %dma_wait3A_493 = arith.constant 0 : i32
    %dma_wait3A_494 = arith.constant 0 : i32
    %dma_wait3A_495 = tpu.memref_slice %arg6[%dma_wait3A_492, %dma_wait3A_493, %dma_wait3A_494] : memref<25x128x32xf32, #tpu.memory_space<vmem>> -> memref<1x128x32xf32, #tpu.memory_space<vmem>>
    %dma_wait3A_496 = tpu.memref_squeeze %dma_wait3A_495 : memref<1x128x32xf32, #tpu.memory_space<vmem>> -> memref<128x32xf32, #tpu.memory_space<vmem>>
    %dma_wait3A_497 = arith.constant 0 : i32
    %dma_wait3A_498 = tpu.memref_slice %arg5[%dma_wait3A_491, %dma_wait3A_497] : memref<25x128xi32, #tpu.memory_space<vmem>> -> memref<1x128xi32, #tpu.memory_space<vmem>>
    %dma_wait3A_499 = tpu.memref_squeeze %dma_wait3A_498 : memref<1x128xi32, #tpu.memory_space<vmem>> -> memref<128xi32, #tpu.memory_space<vmem>>
    %dma_wait3A_500 = arith.constant 0 : i32
    %dma_wait3A_501 = arith.constant 0 : i32
    %dma_wait3A_502 = tpu.memref_slice %arg3[%dma_wait3A_500, %dma_wait3A_501] : memref<1000000x32xf32, #tpu.memory_space<hbm>> -> memref<1000000x32xf32, #tpu.memory_space<hbm>>
    tpu.wait_indirect_dma semaphore(%arg7 : memref<!tpu.dma_semaphore, #tpu.memory_space<semaphore_mem>>) src(%dma_wait3A_502 : memref<1000000x32xf32, #tpu.memory_space<hbm>>) dst(%dma_wait3A_496 : memref<128x32xf32, #tpu.memory_space<vmem>>)
    %dma_wait3A_503 = arith.constant 17 : i32
    %dma_wait3A_504 = arith.constant 17 : i32
    %dma_wait3A_505 = arith.constant 0 : i32
    %dma_wait3A_506 = arith.constant 0 : i32
    %dma_wait3A_507 = tpu.memref_slice %arg6[%dma_wait3A_504, %dma_wait3A_505, %dma_wait3A_506] : memref<25x128x32xf32, #tpu.memory_space<vmem>> -> memref<1x128x32xf32, #tpu.memory_space<vmem>>
    %dma_wait3A_508 = tpu.memref_squeeze %dma_wait3A_507 : memref<1x128x32xf32, #tpu.memory_space<vmem>> -> memref<128x32xf32, #tpu.memory_space<vmem>>
    %dma_wait3A_509 = arith.constant 0 : i32
    %dma_wait3A_510 = tpu.memref_slice %arg5[%dma_wait3A_503, %dma_wait3A_509] : memref<25x128xi32, #tpu.memory_space<vmem>> -> memref<1x128xi32, #tpu.memory_space<vmem>>
    %dma_wait3A_511 = tpu.memref_squeeze %dma_wait3A_510 : memref<1x128xi32, #tpu.memory_space<vmem>> -> memref<128xi32, #tpu.memory_space<vmem>>
    %dma_wait3A_512 = arith.constant 0 : i32
    %dma_wait3A_513 = arith.constant 0 : i32
    %dma_wait3A_514 = tpu.memref_slice %arg3[%dma_wait3A_512, %dma_wait3A_513] : memref<1000000x32xf32, #tpu.memory_space<hbm>> -> memref<1000000x32xf32, #tpu.memory_space<hbm>>
    tpu.wait_indirect_dma semaphore(%arg7 : memref<!tpu.dma_semaphore, #tpu.memory_space<semaphore_mem>>) src(%dma_wait3A_514 : memref<1000000x32xf32, #tpu.memory_space<hbm>>) dst(%dma_wait3A_508 : memref<128x32xf32, #tpu.memory_space<vmem>>)
    %dma_wait3A_515 = arith.constant 18 : i32
    %dma_wait3A_516 = arith.constant 18 : i32
    %dma_wait3A_517 = arith.constant 0 : i32
    %dma_wait3A_518 = arith.constant 0 : i32
    %dma_wait3A_519 = tpu.memref_slice %arg6[%dma_wait3A_516, %dma_wait3A_517, %dma_wait3A_518] : memref<25x128x32xf32, #tpu.memory_space<vmem>> -> memref<1x128x32xf32, #tpu.memory_space<vmem>>
    %dma_wait3A_520 = tpu.memref_squeeze %dma_wait3A_519 : memref<1x128x32xf32, #tpu.memory_space<vmem>> -> memref<128x32xf32, #tpu.memory_space<vmem>>
    %dma_wait3A_521 = arith.constant 0 : i32
    %dma_wait3A_522 = tpu.memref_slice %arg5[%dma_wait3A_515, %dma_wait3A_521] : memref<25x128xi32, #tpu.memory_space<vmem>> -> memref<1x128xi32, #tpu.memory_space<vmem>>
    %dma_wait3A_523 = tpu.memref_squeeze %dma_wait3A_522 : memref<1x128xi32, #tpu.memory_space<vmem>> -> memref<128xi32, #tpu.memory_space<vmem>>
    %dma_wait3A_524 = arith.constant 0 : i32
    %dma_wait3A_525 = arith.constant 0 : i32
    %dma_wait3A_526 = tpu.memref_slice %arg3[%dma_wait3A_524, %dma_wait3A_525] : memref<1000000x32xf32, #tpu.memory_space<hbm>> -> memref<1000000x32xf32, #tpu.memory_space<hbm>>
    tpu.wait_indirect_dma semaphore(%arg7 : memref<!tpu.dma_semaphore, #tpu.memory_space<semaphore_mem>>) src(%dma_wait3A_526 : memref<1000000x32xf32, #tpu.memory_space<hbm>>) dst(%dma_wait3A_520 : memref<128x32xf32, #tpu.memory_space<vmem>>)
    %dma_wait3A_527 = arith.constant 19 : i32
    %dma_wait3A_528 = arith.constant 19 : i32
    %dma_wait3A_529 = arith.constant 0 : i32
    %dma_wait3A_530 = arith.constant 0 : i32
    %dma_wait3A_531 = tpu.memref_slice %arg6[%dma_wait3A_528, %dma_wait3A_529, %dma_wait3A_530] : memref<25x128x32xf32, #tpu.memory_space<vmem>> -> memref<1x128x32xf32, #tpu.memory_space<vmem>>
    %dma_wait3A_532 = tpu.memref_squeeze %dma_wait3A_531 : memref<1x128x32xf32, #tpu.memory_space<vmem>> -> memref<128x32xf32, #tpu.memory_space<vmem>>
    %dma_wait3A_533 = arith.constant 0 : i32
    %dma_wait3A_534 = tpu.memref_slice %arg5[%dma_wait3A_527, %dma_wait3A_533] : memref<25x128xi32, #tpu.memory_space<vmem>> -> memref<1x128xi32, #tpu.memory_space<vmem>>
    %dma_wait3A_535 = tpu.memref_squeeze %dma_wait3A_534 : memref<1x128xi32, #tpu.memory_space<vmem>> -> memref<128xi32, #tpu.memory_space<vmem>>
    %dma_wait3A_536 = arith.constant 0 : i32
    %dma_wait3A_537 = arith.constant 0 : i32
    %dma_wait3A_538 = tpu.memref_slice %arg3[%dma_wait3A_536, %dma_wait3A_537] : memref<1000000x32xf32, #tpu.memory_space<hbm>> -> memref<1000000x32xf32, #tpu.memory_space<hbm>>
    tpu.wait_indirect_dma semaphore(%arg7 : memref<!tpu.dma_semaphore, #tpu.memory_space<semaphore_mem>>) src(%dma_wait3A_538 : memref<1000000x32xf32, #tpu.memory_space<hbm>>) dst(%dma_wait3A_532 : memref<128x32xf32, #tpu.memory_space<vmem>>)
    %dma_wait3A_539 = arith.constant 20 : i32
    %dma_wait3A_540 = arith.constant 20 : i32
    %dma_wait3A_541 = arith.constant 0 : i32
    %dma_wait3A_542 = arith.constant 0 : i32
    %dma_wait3A_543 = tpu.memref_slice %arg6[%dma_wait3A_540, %dma_wait3A_541, %dma_wait3A_542] : memref<25x128x32xf32, #tpu.memory_space<vmem>> -> memref<1x128x32xf32, #tpu.memory_space<vmem>>
    %dma_wait3A_544 = tpu.memref_squeeze %dma_wait3A_543 : memref<1x128x32xf32, #tpu.memory_space<vmem>> -> memref<128x32xf32, #tpu.memory_space<vmem>>
    %dma_wait3A_545 = arith.constant 0 : i32
    %dma_wait3A_546 = tpu.memref_slice %arg5[%dma_wait3A_539, %dma_wait3A_545] : memref<25x128xi32, #tpu.memory_space<vmem>> -> memref<1x128xi32, #tpu.memory_space<vmem>>
    %dma_wait3A_547 = tpu.memref_squeeze %dma_wait3A_546 : memref<1x128xi32, #tpu.memory_space<vmem>> -> memref<128xi32, #tpu.memory_space<vmem>>
    %dma_wait3A_548 = arith.constant 0 : i32
    %dma_wait3A_549 = arith.constant 0 : i32
    %dma_wait3A_550 = tpu.memref_slice %arg3[%dma_wait3A_548, %dma_wait3A_549] : memref<1000000x32xf32, #tpu.memory_space<hbm>> -> memref<1000000x32xf32, #tpu.memory_space<hbm>>
    tpu.wait_indirect_dma semaphore(%arg7 : memref<!tpu.dma_semaphore, #tpu.memory_space<semaphore_mem>>) src(%dma_wait3A_550 : memref<1000000x32xf32, #tpu.memory_space<hbm>>) dst(%dma_wait3A_544 : memref<128x32xf32, #tpu.memory_space<vmem>>)
    %dma_wait3A_551 = arith.constant 21 : i32
    %dma_wait3A_552 = arith.constant 21 : i32
    %dma_wait3A_553 = arith.constant 0 : i32
    %dma_wait3A_554 = arith.constant 0 : i32
    %dma_wait3A_555 = tpu.memref_slice %arg6[%dma_wait3A_552, %dma_wait3A_553, %dma_wait3A_554] : memref<25x128x32xf32, #tpu.memory_space<vmem>> -> memref<1x128x32xf32, #tpu.memory_space<vmem>>
    %dma_wait3A_556 = tpu.memref_squeeze %dma_wait3A_555 : memref<1x128x32xf32, #tpu.memory_space<vmem>> -> memref<128x32xf32, #tpu.memory_space<vmem>>
    %dma_wait3A_557 = arith.constant 0 : i32
    %dma_wait3A_558 = tpu.memref_slice %arg5[%dma_wait3A_551, %dma_wait3A_557] : memref<25x128xi32, #tpu.memory_space<vmem>> -> memref<1x128xi32, #tpu.memory_space<vmem>>
    %dma_wait3A_559 = tpu.memref_squeeze %dma_wait3A_558 : memref<1x128xi32, #tpu.memory_space<vmem>> -> memref<128xi32, #tpu.memory_space<vmem>>
    %dma_wait3A_560 = arith.constant 0 : i32
    %dma_wait3A_561 = arith.constant 0 : i32
    %dma_wait3A_562 = tpu.memref_slice %arg3[%dma_wait3A_560, %dma_wait3A_561] : memref<1000000x32xf32, #tpu.memory_space<hbm>> -> memref<1000000x32xf32, #tpu.memory_space<hbm>>
    tpu.wait_indirect_dma semaphore(%arg7 : memref<!tpu.dma_semaphore, #tpu.memory_space<semaphore_mem>>) src(%dma_wait3A_562 : memref<1000000x32xf32, #tpu.memory_space<hbm>>) dst(%dma_wait3A_556 : memref<128x32xf32, #tpu.memory_space<vmem>>)
    %dma_wait3A_563 = arith.constant 22 : i32
    %dma_wait3A_564 = arith.constant 22 : i32
    %dma_wait3A_565 = arith.constant 0 : i32
    %dma_wait3A_566 = arith.constant 0 : i32
    %dma_wait3A_567 = tpu.memref_slice %arg6[%dma_wait3A_564, %dma_wait3A_565, %dma_wait3A_566] : memref<25x128x32xf32, #tpu.memory_space<vmem>> -> memref<1x128x32xf32, #tpu.memory_space<vmem>>
    %dma_wait3A_568 = tpu.memref_squeeze %dma_wait3A_567 : memref<1x128x32xf32, #tpu.memory_space<vmem>> -> memref<128x32xf32, #tpu.memory_space<vmem>>
    %dma_wait3A_569 = arith.constant 0 : i32
    %dma_wait3A_570 = tpu.memref_slice %arg5[%dma_wait3A_563, %dma_wait3A_569] : memref<25x128xi32, #tpu.memory_space<vmem>> -> memref<1x128xi32, #tpu.memory_space<vmem>>
    %dma_wait3A_571 = tpu.memref_squeeze %dma_wait3A_570 : memref<1x128xi32, #tpu.memory_space<vmem>> -> memref<128xi32, #tpu.memory_space<vmem>>
    %dma_wait3A_572 = arith.constant 0 : i32
    %dma_wait3A_573 = arith.constant 0 : i32
    %dma_wait3A_574 = tpu.memref_slice %arg3[%dma_wait3A_572, %dma_wait3A_573] : memref<1000000x32xf32, #tpu.memory_space<hbm>> -> memref<1000000x32xf32, #tpu.memory_space<hbm>>
    tpu.wait_indirect_dma semaphore(%arg7 : memref<!tpu.dma_semaphore, #tpu.memory_space<semaphore_mem>>) src(%dma_wait3A_574 : memref<1000000x32xf32, #tpu.memory_space<hbm>>) dst(%dma_wait3A_568 : memref<128x32xf32, #tpu.memory_space<vmem>>)
    %dma_wait3A_575 = arith.constant 23 : i32
    %dma_wait3A_576 = arith.constant 23 : i32
    %dma_wait3A_577 = arith.constant 0 : i32
    %dma_wait3A_578 = arith.constant 0 : i32
    %dma_wait3A_579 = tpu.memref_slice %arg6[%dma_wait3A_576, %dma_wait3A_577, %dma_wait3A_578] : memref<25x128x32xf32, #tpu.memory_space<vmem>> -> memref<1x128x32xf32, #tpu.memory_space<vmem>>
    %dma_wait3A_580 = tpu.memref_squeeze %dma_wait3A_579 : memref<1x128x32xf32, #tpu.memory_space<vmem>> -> memref<128x32xf32, #tpu.memory_space<vmem>>
    %dma_wait3A_581 = arith.constant 0 : i32
    %dma_wait3A_582 = tpu.memref_slice %arg5[%dma_wait3A_575, %dma_wait3A_581] : memref<25x128xi32, #tpu.memory_space<vmem>> -> memref<1x128xi32, #tpu.memory_space<vmem>>
    %dma_wait3A_583 = tpu.memref_squeeze %dma_wait3A_582 : memref<1x128xi32, #tpu.memory_space<vmem>> -> memref<128xi32, #tpu.memory_space<vmem>>
    %dma_wait3A_584 = arith.constant 0 : i32
    %dma_wait3A_585 = arith.constant 0 : i32
    %dma_wait3A_586 = tpu.memref_slice %arg3[%dma_wait3A_584, %dma_wait3A_585] : memref<1000000x32xf32, #tpu.memory_space<hbm>> -> memref<1000000x32xf32, #tpu.memory_space<hbm>>
    tpu.wait_indirect_dma semaphore(%arg7 : memref<!tpu.dma_semaphore, #tpu.memory_space<semaphore_mem>>) src(%dma_wait3A_586 : memref<1000000x32xf32, #tpu.memory_space<hbm>>) dst(%dma_wait3A_580 : memref<128x32xf32, #tpu.memory_space<vmem>>)
    %dma_wait3A_587 = arith.constant 24 : i32
    %dma_wait3A_588 = arith.constant 24 : i32
    %dma_wait3A_589 = arith.constant 0 : i32
    %dma_wait3A_590 = arith.constant 0 : i32
    %dma_wait3A_591 = tpu.memref_slice %arg6[%dma_wait3A_588, %dma_wait3A_589, %dma_wait3A_590] : memref<25x128x32xf32, #tpu.memory_space<vmem>> -> memref<1x128x32xf32, #tpu.memory_space<vmem>>
    %dma_wait3A_592 = tpu.memref_squeeze %dma_wait3A_591 : memref<1x128x32xf32, #tpu.memory_space<vmem>> -> memref<128x32xf32, #tpu.memory_space<vmem>>
    %dma_wait3A_593 = arith.constant 0 : i32
    %dma_wait3A_594 = tpu.memref_slice %arg5[%dma_wait3A_587, %dma_wait3A_593] : memref<25x128xi32, #tpu.memory_space<vmem>> -> memref<1x128xi32, #tpu.memory_space<vmem>>
    %dma_wait3A_595 = tpu.memref_squeeze %dma_wait3A_594 : memref<1x128xi32, #tpu.memory_space<vmem>> -> memref<128xi32, #tpu.memory_space<vmem>>
    %dma_wait3A_596 = arith.constant 0 : i32
    %dma_wait3A_597 = arith.constant 0 : i32
    %dma_wait3A_598 = tpu.memref_slice %arg3[%dma_wait3A_596, %dma_wait3A_597] : memref<1000000x32xf32, #tpu.memory_space<hbm>> -> memref<1000000x32xf32, #tpu.memory_space<hbm>>
    tpu.wait_indirect_dma semaphore(%arg7 : memref<!tpu.dma_semaphore, #tpu.memory_space<semaphore_mem>>) src(%dma_wait3A_598 : memref<1000000x32xf32, #tpu.memory_space<hbm>>) dst(%dma_wait3A_592 : memref<128x32xf32, #tpu.memory_space<vmem>>)
    "tpu.region"() ({
      %run_scoped3A = tpu.sem_alloc : memref<!tpu.dma_semaphore, #tpu.memory_space<semaphore_mem>>
      %dma_start3A_599 = arith.constant 0 : i32
      %dma_start3A_600 = arith.constant 0 : i32
      %dma_start3A_601 = arith.constant 0 : i32
      %dma_start3A_602 = tpu.memref_slice %arg4[%add3A, %dma_start3A_599, %dma_start3A_600, %dma_start3A_601] : memref<32x25x128x32xf32, #tpu.memory_space<hbm>> -> memref<1x25x128x32xf32, #tpu.memory_space<hbm>>
      %dma_start3A_603 = tpu.memref_squeeze %dma_start3A_602 : memref<1x25x128x32xf32, #tpu.memory_space<hbm>> -> memref<25x128x32xf32, #tpu.memory_space<hbm>>
      %dma_start3A_604 = arith.constant 0 : i32
      %dma_start3A_605 = arith.constant 0 : i32
      %dma_start3A_606 = arith.constant 0 : i32
      %dma_start3A_607 = tpu.memref_slice %arg4[%add3A, %dma_start3A_604, %dma_start3A_605, %dma_start3A_606] : memref<32x25x128x32xf32, #tpu.memory_space<hbm>> -> memref<1x25x128x32xf32, #tpu.memory_space<hbm>>
      %dma_start3A_608 = tpu.memref_squeeze %dma_start3A_607 : memref<1x25x128x32xf32, #tpu.memory_space<hbm>> -> memref<25x128x32xf32, #tpu.memory_space<hbm>>
      tpu.enqueue_dma source(%arg6 : memref<25x128x32xf32, #tpu.memory_space<vmem>>) target(%dma_start3A_608 : memref<25x128x32xf32, #tpu.memory_space<hbm>>) target_semaphore(%run_scoped3A : memref<!tpu.dma_semaphore, #tpu.memory_space<semaphore_mem>>)
      %dma_wait3A_609 = arith.constant 0 : i32
      %dma_wait3A_610 = arith.constant 0 : i32
      %dma_wait3A_611 = arith.constant 0 : i32
      %dma_wait3A_612 = tpu.memref_slice %arg4[%add3A, %dma_wait3A_609, %dma_wait3A_610, %dma_wait3A_611] : memref<32x25x128x32xf32, #tpu.memory_space<hbm>> -> memref<1x25x128x32xf32, #tpu.memory_space<hbm>>
      %dma_wait3A_613 = tpu.memref_squeeze %dma_wait3A_612 : memref<1x25x128x32xf32, #tpu.memory_space<hbm>> -> memref<25x128x32xf32, #tpu.memory_space<hbm>>
      %dma_wait3A_614 = arith.constant 0 : i32
      %dma_wait3A_615 = arith.constant 0 : i32
      %dma_wait3A_616 = arith.constant 0 : i32
      %dma_wait3A_617 = tpu.memref_slice %arg4[%add3A, %dma_wait3A_614, %dma_wait3A_615, %dma_wait3A_616] : memref<32x25x128x32xf32, #tpu.memory_space<hbm>> -> memref<1x25x128x32xf32, #tpu.memory_space<hbm>>
      %dma_wait3A_618 = tpu.memref_squeeze %dma_wait3A_617 : memref<1x25x128x32xf32, #tpu.memory_space<hbm>> -> memref<25x128x32xf32, #tpu.memory_space<hbm>>
      tpu.wait_dma2 semaphore(%run_scoped3A : memref<!tpu.dma_semaphore, #tpu.memory_space<semaphore_mem>>) src(%arg6 : memref<25x128x32xf32, #tpu.memory_space<vmem>>) dst(%dma_wait3A_618 : memref<25x128x32xf32, #tpu.memory_space<hbm>>)
      tpu.yield
    }) : () -> ()
    return
  }
}

</mosaic_0001>

<sc_bundles>
// kernel: kernel.3.cloned.1.call-start
scs
__scs_entry_jumppad:
0x0: {  	(pc) =	sbr.rel $0x88, $3  }
0x1: {  	(tag) =	ssettag $0x0;
	lr =	simm.s32 $0x1  }
0x2: {  	[smem:$0x3F9F] =	sst lr;
	_ =	strace $0xD0000000  }
0x3: {  	_ = 	snop  }
0x4: {  	_ = 	snop  }
0x5: {  	_ = 	snop  }
0x6: {  	_ = 	snop  }
0x7: {  	_ = 	snop  }
__scs_overlays_trampoline_lowered:
0x8: {  	[smem:$0x3FAE] =	sst s0  }
0x9: {  	[smem:$0x3FAF] =	sst s1  }
0xa: {  	[smem:$0x3FB0] =	sst s2  }
0xb: {  	[smem:$0x3FB1] =	sst s3  }
0xc: {  	[smem:$0x3FB2] =	sst s4  }
0xd: {  	[smem:$0x3FB3] =	sst s5  }
0xe: {  	[smem:$0x3FB4] =	sst s6  }
0xf: {  	[smem:$0x3FB5] =	sst s7  }
0x10: {  	[smem:$0x3FB6] =	sst s8  }
0x11: {  	[smem:$0x3FB7] =	sst s9;
	s0 =	simm.s32 @!p0 $0x0  }
0x12: {  	s1 =	sld [smem:$0x3F9D];
	s0 =	simm.s32 @p0 $0x1  }
0x13: {  	[smem:$0x3FB8] =	sst s0;
	s0 =	simm.s32 @!p1 $0x0  }
0x14: {  	s2 =	sld [smem:$0x3F9C];
	s0 =	simm.s32 @p1 $0x1  }
0x15: {  	[smem:$0x3FB9] =	sst s0;
	s0 =	simm.s32 @!p2 $0x0  }
0x16: {  	s3 =	sld [smem:$0x3FDB];
	s0 =	simm.s32 @p2 $0x1  }
0x17: {  	s4 =	simm.s32 $0x1BF5;
	[smem:$0x3FBB] =	sst s0  }
0x18: {  	s0 =	sld [smem:$0x3F9E];
	_ =	swait.ge [sflag:s4], $0x0  }
0x19: {  	s7 =	sld [smem:$0x3F9F]  }
0x1a: {  	s8 =	sadd.s32 $0xFFFFE003, lr  }
0x1b: {  	s9 =	sadd.s32 $0xFFFFFEF7, lr;
	s5 =	simm.s32 $0xFFFFFFFF;
	p2 =	slt.u32 s8, $0xFFFFF086  }
0x1c: {  	p1 =	slt.u32 s9, $0xF7A;
	s5 =	simm.s32 @!p2 $0x0  }
0x1d: {  	s5 =	simm.s32 @p1 $0x1;
	p0 =	seq.s32 s7, s2  }
0x1e: {  	s7 =	smul.u32 @!p0 $0xF7A, s2;
	p2 =	seq.s32 @!p0 s5, $0x0  }
0x1f: {  	s9 =	smul.u32 $0xF7A, s1;
	s8 =	simm.s32 @!p0 $0x1BF5;
	p2 =	por !p2, p0  }
0x20: {  	[sflag:s8] =	ssyncset.s32 @!p0 $0xFFFFF086;
	s6 =	sadd.s32 @!p0 s3, s7;
	s7 =	simm.s32 @!p0 $0x108  }
0x21: {  	s3 =	sadd.s32 s3, s9;
	s6 =	sadd.s32 @!p0 $0x88, s6;
	s7 =	simm.s32 @p2 $0x1082  }
0x22: {  	[simem:s7], [sflag:s8] =	dma.local @!p0 [hbm:s6], $0xF7A  }
0x23: {  	s9 =	sor.u32 $0xD0000000, s2;
	s6 =	simm.s32 $0x108;
	_ =	swait.ge @!p0 [sflag:s8], $0x0  }
0x24: {  	s3 =	sadd.s32 $0x88, s3;
	s6 =	simm.s32 @!p1 $0x1082;
	[sflag:s4] =	ssyncset.s32 $0xFFFFF086  }
0x25: {  	[simem:s6], [sflag:s4] =	dma.local [hbm:s3], $0xF7A  }
0x26: {  	[smem:$0x3F9F] =	sst s1;
	(tag) =	ssettag s2;
	_ =	strace s9  }
0x27: {  	s1 =	sld [smem:$0x3FAF]  }
0x28: {  	s2 =	sld [smem:$0x3FB0]  }
0x29: {  	s4 =	sld [smem:$0x3FB2]  }
0x2a: {  	p0 =	seq.s32 s5, $0x0;
	s5 =	sld [smem:$0x3FB3]  }
0x2b: {  	s6 =	sld [smem:$0x3FB4]  }
0x2c: {  	s7 =	sld [smem:$0x3FB5]  }
0x2d: {  	s3 =	simm.s32 $0x108;
	s8 =	sld [smem:$0x3FB6]  }
0x2e: {  	s3 =	simm.s32 @!p0 $0x1082;
	s9 =	sld [smem:$0x3FB7]  }
0x2f: {  	lr =	sadd.s32 s0, s3;
	s0 =	sld [smem:$0x3FAE]  }
0x30: {  	s3 =	sld [smem:$0x3FB1]  }
0x31: {  	[smem:$0x3FBA] =	sst s10  }
0x32: {  	s10 =	sld [smem:$0x3FB8];
	_ =	sdelay $0x3  }
0x33: {  	p0 =	seq.s32 s10, $0x1;
	s10 =	sld [smem:$0x3FBA];
	_ =	sdelay $0x3  }
0x34: {  	[smem:$0x3FBA] =	sst s10  }
0x35: {  	s10 =	sld [smem:$0x3FB9];
	_ =	sdelay $0x3  }
0x36: {  	p1 =	seq.s32 s10, $0x1;
	s10 =	sld [smem:$0x3FBA];
	_ =	sdelay $0x3  }
0x37: {  	[smem:$0x3FBA] =	sst s10  }
0x38: {  	s10 =	sld [smem:$0x3FBB]  }
0x39: {  	_ = 	snop;
	(pc) =	sbr.ind lr, $3  }
0x3a: {  	_ = 	snop  }
0x3b: {  	_ = 	snop  }
0x3c: {  	p2 =	seq.s32 s10, $0x1;
	s10 =	sld [smem:$0x3FBA]  }
0x3d: {  	_ =	shalt  }
0x3e: {  	_ =	shalt  }
0x3f: {  	_ =	shalt  }
0x40: {  	_ =	shalt  }
0x41: {  	_ =	shalt  }
0x42: {  	_ =	shalt  }
0x43: {  	_ =	shalt  }
0x44: {  	_ =	shalt  }
0x45: {  	_ =	shalt  }
0x46: {  	_ =	shalt  }
0x47: {  	_ =	shalt  }
0x48: {  	_ =	shalt  }
0x49: {  	_ =	shalt  }
0x4a: {  	_ =	shalt  }
0x4b: {  	_ =	shalt  }
0x4c: {  	_ =	shalt  }
0x4d: {  	_ =	shalt  }
0x4e: {  	_ =	shalt  }
0x4f: {  	_ =	shalt  }
0x50: {  	_ =	shalt  }
0x51: {  	_ =	shalt  }
0x52: {  	_ =	shalt  }
0x53: {  	_ =	shalt  }
0x54: {  	_ =	shalt  }
0x55: {  	_ =	shalt  }
0x56: {  	_ =	shalt  }
0x57: {  	_ =	shalt  }
0x58: {  	_ =	shalt  }
0x59: {  	_ =	shalt  }
0x5a: {  	_ =	shalt  }
0x5b: {  	_ =	shalt  }
0x5c: {  	_ =	shalt  }
0x5d: {  	_ =	shalt  }
0x5e: {  	_ =	shalt  }
0x5f: {  	_ =	shalt  }
0x60: {  	_ =	shalt  }
0x61: {  	_ =	shalt  }
0x62: {  	_ =	shalt  }
0x63: {  	_ =	shalt  }
0x64: {  	_ =	shalt  }
0x65: {  	_ =	shalt  }
0x66: {  	_ =	shalt  }
0x67: {  	_ =	shalt  }
0x68: {  	_ =	shalt  }
0x69: {  	_ =	shalt  }
0x6a: {  	_ =	shalt  }
0x6b: {  	_ =	shalt  }
0x6c: {  	_ =	shalt  }
0x6d: {  	_ =	shalt  }
0x6e: {  	_ =	shalt  }
0x6f: {  	_ =	shalt  }
0x70: {  	_ =	shalt  }
0x71: {  	_ =	shalt  }
0x72: {  	_ =	shalt  }
0x73: {  	_ =	shalt  }
0x74: {  	_ =	shalt  }
0x75: {  	_ =	shalt  }
0x76: {  	_ =	shalt  }
0x77: {  	_ =	shalt  }
0x78: {  	_ =	shalt  }
0x79: {  	_ =	shalt  }
0x7a: {  	_ =	shalt  }
0x7b: {  	_ =	shalt  }
0x7c: {  	_ =	shalt  }
0x7d: {  	_ =	shalt  }
0x7e: {  	_ =	shalt  }
0x7f: {  	_ =	shalt  }
0x80: {  	_ =	shalt  }
0x81: {  	_ =	shalt  }
0x82: {  	_ =	shalt  }
0x83: {  	_ =	shalt  }
0x84: {  	_ =	shalt  }
0x85: {  	_ =	shalt  }
0x86: {  	_ =	shalt  }
0x87: {  	_ =	shalt  }
.Lfunc_end0:
.L_simem_size_0:
called_computation_lowered:
.L_overlay_start_0:
0x88: {  	s2 =	sld [smem:$0x3FD9]  }
0x89: {  	s3 =	sld [smem:$0x3FFE];
	_ =	sdelay $0x1  }
0x8a: {  	s1 =	srdreg.scid  }
0x8b: {  	s0 =	sand.u32 $0x1, s1  }
0x8c: {  	s17 =	sshll.u32 s0, $0xA;
	s2 =	sadd.s32 s3, s2  }
0x8d: {  	s2 =	sadd.s32 s2, s17  }
0x8e: {  	[smem:$0x3FC6] =	sst s2  }
0x8f: {  	_ = 	snop  }
0x90: {  	s2 =	sld [smem:$0x3FD0];
	(tm) =	ssettm $0x1  }
0x91: {  	s18 =	sld [smem:$0x3FFB];
	_ =	sdelay $0x3  }
0x92: {  	_ =	strace s18  }
0x93: {  	s3 =	sld [smem:$0x3FFC];
	_ =	sdelay $0x3  }
0x94: {  	_ =	strace s3  }
0x95: {  	s3 =	sld [smem:$0x3FFD];
	_ =	sdelay $0x3  }
0x96: {  	_ =	strace s3  }
0x97: {  	_ =	strace $0x8FFFFFFF  }
0x98: {  	s19 =	sld [smem:$0x3FDB];
	_ =	sdelay $0x1  }
0x99: {  	s4 =	simm.s32 $_scs_section_size  }
0x9a: {  	s5 =	simm.s32 $_size__tile_overlayer_lowered;
	s6 =	simm.s32 $_tile_overlayer_lowered  }
0x9b: {  	s22 =	simm.s32 $0x1BFF;
	s21 =	sshll.u32 s6, $0x1;
	s3 =	sadd.s32 s4, s19  }
0x9c: {  	s7 =	simm.s32 $0x0;
	s20 =	sshll.u32 s5, $0x1;
	s5 =	sadd.s32 s21, s3  }
0x9d: {  	[timem:s7], [sflag:s22] =	dma.local [hbm:s5], s20  }
0x9e: {  	_ =	swait.ge [sflag:s22], s20  }
0x9f: {  	s4 =	ssub.s32 $0x0, s20;
	[sflag:s22] =	ssyncset.done $0x0  }
0xa0: {  	[sflag:s22] =	ssyncadd.s32 s4;
	_ =	sdelay $0x1  }
0xa1: {  	s23 =	simm.s32 $0x1B8B  }
0xa2: {  	_ =	swait.ge [sflag:s23], $0x1  }
0xa3: {  	[sflag:s23] =	ssyncset.done $0x0  }
0xa4: {  	s25 =	simm.s32 $0x1B8E;
	s24 =	sld [smem:$0x3FFE];
	[sflag:s23] =	ssyncadd.s32 $0xFFFFFFFF  }
0xa5: {  	s26 =	simm.s32 $execute0_lowered;
	[smem:$0x3FD2] =	sst s25  }
0xa6: {  	s5 =	sshll.u32 s26, $0x1;
	_ =	strace $0x80000046;
	[dreg:$0x1] =	wrdreg $0xFFFFFFFF  }
0xa7: {  	s28 =	simm.s32 $_size_execute0_lowered;
	s3 =	sadd.s32 s3, s5;
	[dreg:$0x0] =	wrdreg $0x0  }
0xa8: {  	s5 =	sshll.u32 s28, $0x1;
	[dreg:$0x2] =	wrdreg s3  }
0xa9: {  	[dreg:$0x3] =	wrdreg s5  }
0xaa: {  	[dreg:$0x4] =	wrdreg $0xC0  }
0xab: {  	_ =	task [dreg:s7], $0x5FFFF  }
0xac: {  	[dreg:$0x1] =	wrdreg $0xFFFFFFFF  }
0xad: {  	[dreg:$0x0] =	wrdreg $0x60  }
0xae: {  	[dreg:$0x2] =	wrdreg s2  }
0xaf: {  	[dreg:$0x3] =	wrdreg s24  }
0xb0: {  	[dreg:$0x4] =	wrdreg $0x9  }
0xb1: {  	_ =	task.clear_ibuf [dreg:s7], $0x5FFFF;
	_ =	strace $0x90000046  }
0xb2: {  	s29 =	simm.s32 $0x9;
	_ =	strace $0x80000048  }
0xb3: {  	_ =	swait.ge [sflag:s29], $0x1  }
0xb4: {  	[sflag:s29] =	ssyncadd.s32 $0xFFFFFFFF  }
0xb5: {  	_ =	strace $0x90000048  }
0xb6: {  	_ =	sfence  }
0xb7: {  	s30 =	sld [smem:$0x0];
	_ =	sdelay $0x2  }
0xb8: {  	s31 =	sshll.u32 s1, $0xD;
	s1 =	sshrl.u32 s1, $0x2  }
0xb9: {  	s3 =	sand.u32 $0x4000, s31;
	s1 =	sadd.s32 s1, s30  }
0xba: {  	s0 =	sor.u32 s3, s0;
	s1 =	sshll.u32 s1, $0x11  }
0xbb: {  	s0 =	sor.u32 s1, s0  }
0xbc: {  	s0 =	sadd.s32 $0x8F2B, s0  }
0xbd: {  	[sflag:s0] =	ssyncadd.remote.s32 $0x1  }
0xbe: {  	_ =	sfence.sel $0xFFFF  }
0xbf: {  	[dreg:$0x0] =	wrdreg $0xFFFFFFFF;
	(pc) =	sbr.abs _section_cstart, $3  }
0xc0: {  	[dreg:$0x1] =	wrdreg $0xFFFFFFFF  }
0xc1: {  	_ =	task.clear_ibuf [dreg:s7], $0x2FFFF;
	_ =	strace $0x9FFFFFFF  }
0xc2: {  	(tm) =	ssettm $0x7FFFFFFF  }
0xc3: {  	_ =	shalt  }
tec
execute0_lowered:
.L_overlay_start_1:
0x0: {  	(tag) =	ssettag $0x1  }
0x1: {  	s0 =	srdreg.scid  }
0x2: {  	s2 =	stileid.u32;
	s3 =	rddreg [dreg:$0x0];
	s1 =	sand.u32 $0x1, s0  }
0x3: {  	s19 =	sshll.u32 s2, $0x1;
	s0 =	rddreg [dreg:$0x1];
	s2 =	simm.s32 $0x0  }
0x4: {  	s21 =	simm.s32 $0x1C80;
	[smem:$0x7FF] =	sst s2  }
0x5: {  	s22 =	simm.s32 $0x100;
	_ =	strace $0x80000047;
	[dreg:$0x5] =	wrdreg s21  }
0x6: {  	s23 =	simm.s32 $0x2C80;
	[dreg:$0x6] =	wrdreg s22  }
0x7: {  	s24 =	simm.s32 $0x180;
	[dreg:$0x7] =	wrdreg s23  }
0x8: {  	s25 =	simm.s32 $0x3C80;
	[dreg:$0x8] =	wrdreg s24  }
0x9: {  	s26 =	simm.s32 $0x200;
	[dreg:$0x9] =	wrdreg s25  }
0xa: {  	s6 =	simm.s32 $0x5C80;
	[dreg:$0xa] =	wrdreg s26  }
0xb: {  	s7 =	simm.s32 $0x300;
	[dreg:$0xd] =	wrdreg s6  }
0xc: {  	s8 =	simm.s32 $0x6C80;
	[dreg:$0xe] =	wrdreg s7  }
0xd: {  	s9 =	simm.s32 $0x380;
	[dreg:$0xf] =	wrdreg s8  }
0xe: {  	s10 =	simm.s32 $0x7C80;
	[dreg:$0x10] =	wrdreg s9  }
0xf: {  	s11 =	simm.s32 $0x400;
	[dreg:$0x11] =	wrdreg s10  }
0x10: {  	s12 =	simm.s32 $0x8C80;
	[dreg:$0x12] =	wrdreg s11  }
0x11: {  	s13 =	simm.s32 $0x480;
	[dreg:$0x13] =	wrdreg s12  }
0x12: {  	s14 =	simm.s32 $0x9C80;
	[dreg:$0x14] =	wrdreg s13  }
0x13: {  	s15 =	simm.s32 $0x500;
	[dreg:$0x15] =	wrdreg s14  }
0x14: {  	s16 =	simm.s32 $0xAC80;
	[dreg:$0x16] =	wrdreg s15  }
0x15: {  	s17 =	simm.s32 $0x580;
	s4 =	sor.u32 s1, s19;
	[dreg:$0x17] =	wrdreg s16  }
0x16: {  	s18 =	simm.s32 $0xBC80;
	s5 =	smul.u32 $0x3200, s4;
	[dreg:$0x18] =	wrdreg s17  }
0x17: {  	s19 =	simm.s32 $0x600;
	s4 =	smul.u32 $0x190, s4;
	[dreg:$0x19] =	wrdreg s18  }
0x18: {  	[dreg:$0x1a] =	wrdreg s19;
	s22 =	simm.s32 $0x680  }
0x19: {  	[dreg:$0x1c] =	wrdreg s22;
	s3 =	sadd.s32 s3, s4  }
0x1a: {  	s5 =	sadd.s32 s5, s0;
	s4 =	simm.s32 $0x4C80;
	[dreg:$0x3] =	wrdreg s3  }
0x1b: {  	s20 =	sadd.s32 $0x600, s5;
	[dreg:$0xb] =	wrdreg s4  }
0x1c: {  	s5 =	simm.s32 $0x280;
	[dreg:$0x4] =	wrdreg s20  }
0x1d: {  	[dreg:$0xc] =	wrdreg s5  }
0x1e: {  	s20 =	simm.s32 $0xCC80;
	s21 =	rddreg [dreg:$0x3]  }
0x1f: {  	s3 =	simm.s32 $0x2;
	[dreg:$0x1b] =	wrdreg s20  }
0x20: {  	[tilespmem:s2], [sflag:$0x2] =	stream.linear.gather [hbm4b:s21+s2], $0xC80, $0x38;
	[tilespmem:$0x19C80] =	vst v63  }
0x21: {  	_ =	swait.ge [sflag:s3], $0xC80  }
0x22: {  	s7 =	rddreg [dreg:$0x1b]  }
0x23: {  	s8 =	rddreg [dreg:$0x19]  }
0x24: {  	s9 =	rddreg [dreg:$0x17]  }
0x25: {  	s10 =	rddreg [dreg:$0x15]  }
0x26: {  	s11 =	rddreg [dreg:$0x13]  }
0x27: {  	s12 =	rddreg [dreg:$0x11]  }
0x28: {  	s13 =	rddreg [dreg:$0xf]  }
0x29: {  	s14 =	rddreg [dreg:$0xd]  }
0x2a: {  	s6 =	simm.s32 $0x80;
	s15 =	rddreg [dreg:$0xb]  }
0x2b: {  	s4 =	simm.s32 $0xC80;
	s23 =	rddreg [dreg:$0x6];
	[sflag:s3] =	ssyncset.done $0x0  }
0x2c: {  	s5 =	sadd.s32 $0xF42A00, s0;
	s16 =	rddreg [dreg:$0x5];
	[sflag:s3] =	ssyncadd.s32 $0xFFFFF380  }
0x2d: {  	[tilespmem:s4], [sflag:$0x1] =	stream.indirect.gather [hbm4b:s5+s6], $0x20, s2, s6, $0xb8;
	[tilespmem:$0x19C80] =	vst v63  }
0x2e: {  	s17 =	rddreg [dreg:$0x7]  }
0x2f: {  	[tilespmem:s16], [sflag:$0x1] =	stream.indirect.gather [hbm4b:s5+s6], $0x20, s6, s6, $0xb8;
	[tilespmem:$0x19C80] =	vst v63  }
0x30: {  	s18 =	rddreg [dreg:$0x9]  }
0x31: {  	[tilespmem:s17], [sflag:$0x1] =	stream.indirect.gather [hbm4b:s5+s6], $0x20, s23, s6, $0xb8;
	[tilespmem:$0x19C80] =	vst v63  }
0x32: {  	s24 =	rddreg [dreg:$0x8]  }
0x33: {  	[tilespmem:s18], [sflag:$0x1] =	stream.indirect.gather [hbm4b:s5+s6], $0x20, s24, s6, $0xb8;
	[tilespmem:$0x19C80] =	vst v63  }
0x34: {  	s25 =	rddreg [dreg:$0xa]  }
0x35: {  	[tilespmem:s15], [sflag:$0x1] =	stream.indirect.gather [hbm4b:s5+s6], $0x20, s25, s6, $0xb8;
	[tilespmem:$0x19C80] =	vst v63  }
0x36: {  	s26 =	rddreg [dreg:$0xc]  }
0x37: {  	[tilespmem:s14], [sflag:$0x1] =	stream.indirect.gather [hbm4b:s5+s6], $0x20, s26, s6, $0xb8;
	[tilespmem:$0x19C80] =	vst v63  }
0x38: {  	s15 =	rddreg [dreg:$0xe]  }
0x39: {  	[tilespmem:s13], [sflag:$0x1] =	stream.indirect.gather [hbm4b:s5+s6], $0x20, s15, s6, $0xb8;
	[tilespmem:$0x19C80] =	vst v63  }
0x3a: {  	s17 =	rddreg [dreg:$0x10]  }
0x3b: {  	[tilespmem:s12], [sflag:$0x1] =	stream.indirect.gather [hbm4b:s5+s6], $0x20, s17, s6, $0xb8;
	[tilespmem:$0x19C80] =	vst v63  }
0x3c: {  	s18 =	rddreg [dreg:$0x12]  }
0x3d: {  	[tilespmem:s11], [sflag:$0x1] =	stream.indirect.gather [hbm4b:s5+s6], $0x20, s18, s6, $0xb8;
	[tilespmem:$0x19C80] =	vst v63  }
0x3e: {  	s19 =	rddreg [dreg:$0x14]  }
0x3f: {  	[tilespmem:s10], [sflag:$0x1] =	stream.indirect.gather [hbm4b:s5+s6], $0x20, s19, s6, $0xb8;
	[tilespmem:$0x19C80] =	vst v63  }
0x40: {  	s20 =	rddreg [dreg:$0x16]  }
0x41: {  	[tilespmem:s9], [sflag:$0x1] =	stream.indirect.gather [hbm4b:s5+s6], $0x20, s20, s6, $0xb8;
	[tilespmem:$0x19C80] =	vst v63  }
0x42: {  	s21 =	rddreg [dreg:$0x18]  }
0x43: {  	[tilespmem:s8], [sflag:$0x1] =	stream.indirect.gather [hbm4b:s5+s6], $0x20, s21, s6, $0xb8;
	[tilespmem:$0x19C80] =	vst v63  }
0x44: {  	s22 =	rddreg [dreg:$0x1a]  }
0x45: {  	[tilespmem:s7], [sflag:$0x1] =	stream.indirect.gather [hbm4b:s5+s6], $0x20, s22, s6, $0xb8;
	[tilespmem:$0x19C80] =	vst v63  }
0x46: {  	s23 =	rddreg [dreg:$0x1c];
	s24 =	simm.s32 $0xDC80  }
0x47: {  	[tilespmem:s24], [sflag:$0x1] =	stream.indirect.gather [hbm4b:s5+s6], $0x20, s23, s6, $0xb8;
	[tilespmem:$0x19C80] =	vst v63  }
0x48: {  	s25 =	simm.s32 $0x700;
	s26 =	simm.s32 $0xEC80  }
0x49: {  	[tilespmem:s26], [sflag:$0x1] =	stream.indirect.gather [hbm4b:s5+s6], $0x20, s25, s6, $0xb8;
	[tilespmem:$0x19C80] =	vst v63  }
0x4a: {  	s9 =	simm.s32 $0xFC80;
	s8 =	simm.s32 $0x780  }
0x4b: {  	[tilespmem:s9], [sflag:$0x1] =	stream.indirect.gather [hbm4b:s5+s6], $0x20, s8, s6, $0xb8;
	[tilespmem:$0x19C80] =	vst v63  }
0x4c: {  	s11 =	simm.s32 $0x10C80;
	s10 =	simm.s32 $0x800  }
0x4d: {  	[tilespmem:s11], [sflag:$0x1] =	stream.indirect.gather [hbm4b:s5+s6], $0x20, s10, s6, $0xb8;
	[tilespmem:$0x19C80] =	vst v63  }
0x4e: {  	s13 =	simm.s32 $0x11C80;
	s12 =	simm.s32 $0x880  }
0x4f: {  	[tilespmem:s13], [sflag:$0x1] =	stream.indirect.gather [hbm4b:s5+s6], $0x20, s12, s6, $0xb8;
	[tilespmem:$0x19C80] =	vst v63  }
0x50: {  	s14 =	simm.s32 $0x900;
	s15 =	simm.s32 $0x12C80  }
0x51: {  	[tilespmem:s15], [sflag:$0x1] =	stream.indirect.gather [hbm4b:s5+s6], $0x20, s14, s6, $0xb8;
	[tilespmem:$0x19C80] =	vst v63  }
0x52: {  	s16 =	simm.s32 $0x980;
	s17 =	simm.s32 $0x13C80  }
0x53: {  	[tilespmem:s17], [sflag:$0x1] =	stream.indirect.gather [hbm4b:s5+s6], $0x20, s16, s6, $0xb8;
	[tilespmem:$0x19C80] =	vst v63  }
0x54: {  	s20 =	simm.s32 $0xA00;
	s21 =	simm.s32 $0x14C80  }
0x55: {  	[tilespmem:s21], [sflag:$0x1] =	stream.indirect.gather [hbm4b:s5+s6], $0x20, s20, s6, $0xb8;
	[tilespmem:$0x19C80] =	vst v63  }
0x56: {  	s22 =	simm.s32 $0xA80;
	s23 =	simm.s32 $0x15C80  }
0x57: {  	[tilespmem:s23], [sflag:$0x1] =	stream.indirect.gather [hbm4b:s5+s6], $0x20, s22, s6, $0xb8;
	[tilespmem:$0x19C80] =	vst v63  }
0x58: {  	s24 =	simm.s32 $0xB00;
	s26 =	simm.s32 $0x16C80  }
0x59: {  	[tilespmem:s26], [sflag:$0x1] =	stream.indirect.gather [hbm4b:s5+s6], $0x20, s24, s6, $0xb8;
	[tilespmem:$0x19C80] =	vst v63  }
0x5a: {  	s28 =	simm.s32 $0xB80;
	s29 =	simm.s32 $0x17C80  }
0x5b: {  	[tilespmem:s29], [sflag:$0x1] =	stream.indirect.gather [hbm4b:s5+s6], $0x20, s28, s6, $0xb8;
	[tilespmem:$0x19C80] =	vst v63  }
0x5c: {  	s30 =	simm.s32 $0xC00;
	s31 =	simm.s32 $0x18C80;
	s25 =	simm.s32 $0x1  }
0x5d: {  	[tilespmem:s31], [sflag:$0x1] =	stream.indirect.gather [hbm4b:s5+s6], $0x20, s30, s6, $0xb8;
	[tilespmem:$0x19C80] =	vst v63  }
0x5e: {  	_ =	swait.ge [sflag:s25], $0x1000  }
0x5f: {  	[sflag:s25] =	ssyncset.done $0x0  }
0x60: {  	[sflag:s25] =	ssyncadd.s32 $0xFFFFF000  }
0x61: {  	_ =	swait.ge [sflag:s25], $0x1000  }
0x62: {  	[sflag:s25] =	ssyncset.done $0x0  }
0x63: {  	[sflag:s25] =	ssyncadd.s32 $0xFFFFF000  }
0x64: {  	_ =	swait.ge [sflag:s25], $0x1000  }
0x65: {  	[sflag:s25] =	ssyncset.done $0x0  }
0x66: {  	[sflag:s25] =	ssyncadd.s32 $0xFFFFF000  }
0x67: {  	_ =	swait.ge [sflag:s25], $0x1000  }
0x68: {  	[sflag:s25] =	ssyncset.done $0x0  }
0x69: {  	[sflag:s25] =	ssyncadd.s32 $0xFFFFF000  }
0x6a: {  	_ =	swait.ge [sflag:s25], $0x1000  }
0x6b: {  	[sflag:s25] =	ssyncset.done $0x0  }
0x6c: {  	[sflag:s25] =	ssyncadd.s32 $0xFFFFF000  }
0x6d: {  	_ =	swait.ge [sflag:s25], $0x1000  }
0x6e: {  	[sflag:s25] =	ssyncset.done $0x0  }
0x6f: {  	[sflag:s25] =	ssyncadd.s32 $0xFFFFF000  }
0x70: {  	_ =	swait.ge [sflag:s25], $0x1000  }
0x71: {  	[sflag:s25] =	ssyncset.done $0x0  }
0x72: {  	[sflag:s25] =	ssyncadd.s32 $0xFFFFF000  }
0x73: {  	_ =	swait.ge [sflag:s25], $0x1000  }
0x74: {  	[sflag:s25] =	ssyncset.done $0x0  }
0x75: {  	[sflag:s25] =	ssyncadd.s32 $0xFFFFF000  }
0x76: {  	_ =	swait.ge [sflag:s25], $0x1000  }
0x77: {  	[sflag:s25] =	ssyncset.done $0x0  }
0x78: {  	[sflag:s25] =	ssyncadd.s32 $0xFFFFF000  }
0x79: {  	_ =	swait.ge [sflag:s25], $0x1000  }
0x7a: {  	[sflag:s25] =	ssyncset.done $0x0  }
0x7b: {  	[sflag:s25] =	ssyncadd.s32 $0xFFFFF000  }
0x7c: {  	_ =	swait.ge [sflag:s25], $0x1000  }
0x7d: {  	[sflag:s25] =	ssyncset.done $0x0  }
0x7e: {  	[sflag:s25] =	ssyncadd.s32 $0xFFFFF000  }
0x7f: {  	_ =	swait.ge [sflag:s25], $0x1000  }
0x80: {  	[sflag:s25] =	ssyncset.done $0x0  }
0x81: {  	[sflag:s25] =	ssyncadd.s32 $0xFFFFF000  }
0x82: {  	_ =	swait.ge [sflag:s25], $0x1000  }
0x83: {  	[sflag:s25] =	ssyncset.done $0x0  }
0x84: {  	[sflag:s25] =	ssyncadd.s32 $0xFFFFF000  }
0x85: {  	_ =	swait.ge [sflag:s25], $0x1000  }
0x86: {  	[sflag:s25] =	ssyncset.done $0x0  }
0x87: {  	[sflag:s25] =	ssyncadd.s32 $0xFFFFF000  }
0x88: {  	_ =	swait.ge [sflag:s25], $0x1000  }
0x89: {  	[sflag:s25] =	ssyncset.done $0x0  }
0x8a: {  	[sflag:s25] =	ssyncadd.s32 $0xFFFFF000  }
0x8b: {  	_ =	swait.ge [sflag:s25], $0x1000  }
0x8c: {  	[sflag:s25] =	ssyncset.done $0x0  }
0x8d: {  	[sflag:s25] =	ssyncadd.s32 $0xFFFFF000  }
0x8e: {  	_ =	swait.ge [sflag:s25], $0x1000  }
0x8f: {  	[sflag:s25] =	ssyncset.done $0x0  }
0x90: {  	[sflag:s25] =	ssyncadd.s32 $0xFFFFF000  }
0x91: {  	_ =	swait.ge [sflag:s25], $0x1000  }
0x92: {  	[sflag:s25] =	ssyncset.done $0x0  }
0x93: {  	[sflag:s25] =	ssyncadd.s32 $0xFFFFF000  }
0x94: {  	_ =	swait.ge [sflag:s25], $0x1000  }
0x95: {  	[sflag:s25] =	ssyncset.done $0x0  }
0x96: {  	[sflag:s25] =	ssyncadd.s32 $0xFFFFF000  }
0x97: {  	_ =	swait.ge [sflag:s25], $0x1000  }
0x98: {  	s18 =	ssub.s32 $0x2, s1;
	[sflag:s25] =	ssyncset.done $0x0  }
0x99: {  	s1 =	sshrl.u32 s18, $0x1;
	[sflag:s25] =	ssyncadd.s32 $0xFFFFF000  }
0x9a: {  	s0 =	ssub.s32 s18, s1;
	_ =	swait.ge [sflag:s25], $0x1000  }
0x9b: {  	s0 =	smax.u32 s0, $0x1;
	[sflag:s25] =	ssyncset.done $0x0  }
0x9c: {  	p0 =	sne.s32 s0, $0x1;
	[sflag:s25] =	ssyncadd.s32 $0xFFFFF000  }
.Ltmp0:
0x9d: {  	_ =	swait.ge [sflag:s25], $0x1000;
	(pc) =	sbr.rel @!p0 .LBB2_2-.Ltmp0, $4  }
0x9e: {  	[sflag:s25] =	ssyncset.done $0x0  }
0x9f: {  	[sflag:s25] =	ssyncadd.s32 $0xFFFFF000  }
0xa0: {  	_ =	swait.ge [sflag:s25], $0x1000  }
0xa1: {  	s19 =	simm.s32 $0x13C80;
	s1 =	sadd.s32 $0xFFFFFFFF, s0;
	[sflag:s25] =	ssyncset.done $0x0  }
.LBB2_1:
0xa2: {  	[sflag:s25] =	ssyncadd.s32 $0xFFFFF000  }
0xa3: {  	_ =	swait.ge [sflag:s25], $0x1000  }
0xa4: {  	[sflag:s25] =	ssyncset.done $0x0  }
0xa5: {  	[sflag:s25] =	ssyncadd.s32 $0xFFFFF000  }
0xa6: {  	_ =	swait.ge [sflag:s25], $0x1000  }
0xa7: {  	[sflag:s25] =	ssyncset.done $0x0  }
0xa8: {  	s0 =	rddreg [dreg:$0x4];
	[sflag:s25] =	ssyncadd.s32 $0xFFFFF000  }
0xa9: {  	[hbm4b:s0+s2] =	stream.linear.scatter [tilespmem:s4], [sflag:$0x2], $0x19000, $0x38;
	[tilespmem:$0x19C80] =	vst v63  }
0xaa: {  	_ =	swait.ge [sflag:s3], $0x19000  }
0xab: {  	[sflag:s3] =	ssyncset.done $0x0  }
0xac: {  	s16 =	rddreg [dreg:$0x3];
	[sflag:s3] =	ssyncadd.s32 $0xFFFE7000  }
0xad: {  	[tilespmem:s2], [sflag:$0x2] =	stream.linear.gather [hbm4b:s16+s2], $0xC80, $0x38;
	[tilespmem:$0x19C80] =	vst v63  }
0xae: {  	_ =	swait.ge [sflag:s3], $0xC80  }
0xaf: {  	s0 =	rddreg [dreg:$0x1b]  }
0xb0: {  	s7 =	rddreg [dreg:$0x19]  }
0xb1: {  	s8 =	rddreg [dreg:$0x17]  }
0xb2: {  	s9 =	rddreg [dreg:$0x15]  }
0xb3: {  	s10 =	rddreg [dreg:$0x13]  }
0xb4: {  	s11 =	rddreg [dreg:$0x11]  }
0xb5: {  	s12 =	rddreg [dreg:$0xf]  }
0xb6: {  	s13 =	rddreg [dreg:$0xd]  }
0xb7: {  	s14 =	rddreg [dreg:$0xb]  }
0xb8: {  	s15 =	rddreg [dreg:$0x6];
	[sflag:s3] =	ssyncset.done $0x0  }
0xb9: {  	s16 =	rddreg [dreg:$0x5];
	[sflag:s3] =	ssyncadd.s32 $0xFFFFF380  }
0xba: {  	[tilespmem:s4], [sflag:$0x1] =	stream.indirect.gather [hbm4b:s5+s6], $0x20, s2, s6, $0xb8;
	[tilespmem:$0x19C80] =	vst v63  }
0xbb: {  	s17 =	rddreg [dreg:$0x7]  }
0xbc: {  	[tilespmem:s16], [sflag:$0x1] =	stream.indirect.gather [hbm4b:s5+s6], $0x20, s6, s6, $0xb8;
	[tilespmem:$0x19C80] =	vst v63  }
0xbd: {  	s18 =	rddreg [dreg:$0x9]  }
0xbe: {  	[tilespmem:s17], [sflag:$0x1] =	stream.indirect.gather [hbm4b:s5+s6], $0x20, s15, s6, $0xb8;
	[tilespmem:$0x19C80] =	vst v63  }
0xbf: {  	s16 =	rddreg [dreg:$0x8]  }
0xc0: {  	[tilespmem:s18], [sflag:$0x1] =	stream.indirect.gather [hbm4b:s5+s6], $0x20, s16, s6, $0xb8;
	[tilespmem:$0x19C80] =	vst v63  }
0xc1: {  	s17 =	rddreg [dreg:$0xa]  }
0xc2: {  	[tilespmem:s14], [sflag:$0x1] =	stream.indirect.gather [hbm4b:s5+s6], $0x20, s17, s6, $0xb8;
	[tilespmem:$0x19C80] =	vst v63  }
0xc3: {  	s18 =	rddreg [dreg:$0xc]  }
0xc4: {  	[tilespmem:s13], [sflag:$0x1] =	stream.indirect.gather [hbm4b:s5+s6], $0x20, s18, s6, $0xb8;
	[tilespmem:$0x19C80] =	vst v63  }
0xc5: {  	s15 =	rddreg [dreg:$0xe]  }
0xc6: {  	[tilespmem:s12], [sflag:$0x1] =	stream.indirect.gather [hbm4b:s5+s6], $0x20, s15, s6, $0xb8;
	[tilespmem:$0x19C80] =	vst v63  }
0xc7: {  	s17 =	rddreg [dreg:$0x10]  }
0xc8: {  	[tilespmem:s11], [sflag:$0x1] =	stream.indirect.gather [hbm4b:s5+s6], $0x20, s17, s6, $0xb8;
	[tilespmem:$0x19C80] =	vst v63  }
0xc9: {  	s18 =	rddreg [dreg:$0x12]  }
0xca: {  	[tilespmem:s10], [sflag:$0x1] =	stream.indirect.gather [hbm4b:s5+s6], $0x20, s18, s6, $0xb8;
	[tilespmem:$0x19C80] =	vst v63  }
0xcb: {  	s13 =	rddreg [dreg:$0x14]  }
0xcc: {  	[tilespmem:s9], [sflag:$0x1] =	stream.indirect.gather [hbm4b:s5+s6], $0x20, s13, s6, $0xb8;
	[tilespmem:$0x19C80] =	vst v63  }
0xcd: {  	s14 =	rddreg [dreg:$0x16]  }
0xce: {  	[tilespmem:s8], [sflag:$0x1] =	stream.indirect.gather [hbm4b:s5+s6], $0x20, s14, s6, $0xb8;
	[tilespmem:$0x19C80] =	vst v63  }
0xcf: {  	s15 =	rddreg [dreg:$0x18]  }
0xd0: {  	[tilespmem:s7], [sflag:$0x1] =	stream.indirect.gather [hbm4b:s5+s6], $0x20, s15, s6, $0xb8;
	[tilespmem:$0x19C80] =	vst v63  }
0xd1: {  	s16 =	rddreg [dreg:$0x1a]  }
0xd2: {  	[tilespmem:s0], [sflag:$0x1] =	stream.indirect.gather [hbm4b:s5+s6], $0x20, s16, s6, $0xb8;
	[tilespmem:$0x19C80] =	vst v63  }
0xd3: {  	s17 =	rddreg [dreg:$0x1c];
	s18 =	simm.s32 $0xDC80  }
0xd4: {  	[tilespmem:s18], [sflag:$0x1] =	stream.indirect.gather [hbm4b:s5+s6], $0x20, s17, s6, $0xb8;
	[tilespmem:$0x19C80] =	vst v63  }
0xd5: {  	s9 =	simm.s32 $0xEC80;
	s8 =	simm.s32 $0x700  }
0xd6: {  	[tilespmem:s9], [sflag:$0x1] =	stream.indirect.gather [hbm4b:s5+s6], $0x20, s8, s6, $0xb8;
	[tilespmem:$0x19C80] =	vst v63  }
0xd7: {  	s11 =	simm.s32 $0xFC80;
	s10 =	simm.s32 $0x780  }
0xd8: {  	[tilespmem:s11], [sflag:$0x1] =	stream.indirect.gather [hbm4b:s5+s6], $0x20, s10, s6, $0xb8;
	[tilespmem:$0x19C80] =	vst v63  }
0xd9: {  	s12 =	simm.s32 $0x800;
	s13 =	simm.s32 $0x10C80  }
0xda: {  	[tilespmem:s13], [sflag:$0x1] =	stream.indirect.gather [hbm4b:s5+s6], $0x20, s12, s6, $0xb8;
	[tilespmem:$0x19C80] =	vst v63  }
0xdb: {  	s14 =	simm.s32 $0x880;
	s15 =	simm.s32 $0x11C80  }
0xdc: {  	[tilespmem:s15], [sflag:$0x1] =	stream.indirect.gather [hbm4b:s5+s6], $0x20, s14, s6, $0xb8;
	[tilespmem:$0x19C80] =	vst v63  }
0xdd: {  	s16 =	simm.s32 $0x900;
	s17 =	simm.s32 $0x12C80  }
0xde: {  	[tilespmem:s17], [sflag:$0x1] =	stream.indirect.gather [hbm4b:s5+s6], $0x20, s16, s6, $0xb8;
	[tilespmem:$0x19C80] =	vst v63  }
0xdf: {  	s18 =	simm.s32 $0x980  }
0xe0: {  	[tilespmem:s19], [sflag:$0x1] =	stream.indirect.gather [hbm4b:s5+s6], $0x20, s18, s6, $0xb8;
	[tilespmem:$0x19C80] =	vst v63  }
0xe1: {  	_ = 	snop  }
0xe2: {  	[tilespmem:s21], [sflag:$0x1] =	stream.indirect.gather [hbm4b:s5+s6], $0x20, s20, s6, $0xb8;
	[tilespmem:$0x19C80] =	vst v63  }
0xe3: {  	_ = 	snop  }
0xe4: {  	[tilespmem:s23], [sflag:$0x1] =	stream.indirect.gather [hbm4b:s5+s6], $0x20, s22, s6, $0xb8;
	[tilespmem:$0x19C80] =	vst v63  }
0xe5: {  	_ = 	snop  }
0xe6: {  	[tilespmem:s26], [sflag:$0x1] =	stream.indirect.gather [hbm4b:s5+s6], $0x20, s24, s6, $0xb8;
	[tilespmem:$0x19C80] =	vst v63  }
0xe7: {  	_ = 	snop  }
0xe8: {  	[tilespmem:s29], [sflag:$0x1] =	stream.indirect.gather [hbm4b:s5+s6], $0x20, s28, s6, $0xb8;
	[tilespmem:$0x19C80] =	vst v63  }
0xe9: {  	_ = 	snop  }
0xea: {  	[tilespmem:s31], [sflag:$0x1] =	stream.indirect.gather [hbm4b:s5+s6], $0x20, s30, s6, $0xb8;
	[tilespmem:$0x19C80] =	vst v63  }
0xeb: {  	_ =	swait.ge [sflag:s25], $0x1000  }
0xec: {  	[sflag:s25] =	ssyncset.done $0x0  }
0xed: {  	[sflag:s25] =	ssyncadd.s32 $0xFFFFF000  }
0xee: {  	_ =	swait.ge [sflag:s25], $0x1000  }
0xef: {  	[sflag:s25] =	ssyncset.done $0x0  }
0xf0: {  	[sflag:s25] =	ssyncadd.s32 $0xFFFFF000  }
0xf1: {  	_ =	swait.ge [sflag:s25], $0x1000  }
0xf2: {  	[sflag:s25] =	ssyncset.done $0x0  }
0xf3: {  	[sflag:s25] =	ssyncadd.s32 $0xFFFFF000  }
0xf4: {  	_ =	swait.ge [sflag:s25], $0x1000  }
0xf5: {  	[sflag:s25] =	ssyncset.done $0x0  }
0xf6: {  	[sflag:s25] =	ssyncadd.s32 $0xFFFFF000  }
0xf7: {  	_ =	swait.ge [sflag:s25], $0x1000  }
0xf8: {  	[sflag:s25] =	ssyncset.done $0x0  }
0xf9: {  	[sflag:s25] =	ssyncadd.s32 $0xFFFFF000  }
0xfa: {  	_ =	swait.ge [sflag:s25], $0x1000  }
0xfb: {  	[sflag:s25] =	ssyncset.done $0x0  }
0xfc: {  	[sflag:s25] =	ssyncadd.s32 $0xFFFFF000  }
0xfd: {  	_ =	swait.ge [sflag:s25], $0x1000  }
0xfe: {  	[sflag:s25] =	ssyncset.done $0x0  }
0xff: {  	[sflag:s25] =	ssyncadd.s32 $0xFFFFF000  }
0x100: {  	_ =	swait.ge [sflag:s25], $0x1000  }
0x101: {  	[sflag:s25] =	ssyncset.done $0x0  }
0x102: {  	[sflag:s25] =	ssyncadd.s32 $0xFFFFF000  }
0x103: {  	_ =	swait.ge [sflag:s25], $0x1000  }
0x104: {  	[sflag:s25] =	ssyncset.done $0x0  }
0x105: {  	[sflag:s25] =	ssyncadd.s32 $0xFFFFF000  }
0x106: {  	_ =	swait.ge [sflag:s25], $0x1000  }
0x107: {  	[sflag:s25] =	ssyncset.done $0x0  }
0x108: {  	[sflag:s25] =	ssyncadd.s32 $0xFFFFF000  }
0x109: {  	_ =	swait.ge [sflag:s25], $0x1000  }
0x10a: {  	[sflag:s25] =	ssyncset.done $0x0  }
0x10b: {  	[sflag:s25] =	ssyncadd.s32 $0xFFFFF000  }
0x10c: {  	_ =	swait.ge [sflag:s25], $0x1000  }
0x10d: {  	[sflag:s25] =	ssyncset.done $0x0  }
0x10e: {  	[sflag:s25] =	ssyncadd.s32 $0xFFFFF000  }
0x10f: {  	_ =	swait.ge [sflag:s25], $0x1000  }
0x110: {  	[sflag:s25] =	ssyncset.done $0x0  }
0x111: {  	[sflag:s25] =	ssyncadd.s32 $0xFFFFF000  }
0x112: {  	_ =	swait.ge [sflag:s25], $0x1000  }
0x113: {  	[sflag:s25] =	ssyncset.done $0x0  }
0x114: {  	[sflag:s25] =	ssyncadd.s32 $0xFFFFF000  }
0x115: {  	_ =	swait.ge [sflag:s25], $0x1000  }
0x116: {  	[sflag:s25] =	ssyncset.done $0x0  }
0x117: {  	[sflag:s25] =	ssyncadd.s32 $0xFFFFF000  }
0x118: {  	_ =	swait.ge [sflag:s25], $0x1000  }
0x119: {  	[sflag:s25] =	ssyncset.done $0x0  }
0x11a: {  	[sflag:s25] =	ssyncadd.s32 $0xFFFFF000  }
0x11b: {  	_ =	swait.ge [sflag:s25], $0x1000  }
0x11c: {  	[sflag:s25] =	ssyncset.done $0x0  }
0x11d: {  	[sflag:s25] =	ssyncadd.s32 $0xFFFFF000  }
0x11e: {  	_ =	swait.ge [sflag:s25], $0x1000  }
0x11f: {  	[sflag:s25] =	ssyncset.done $0x0  }
0x120: {  	[sflag:s25] =	ssyncadd.s32 $0xFFFFF000  }
0x121: {  	_ =	swait.ge [sflag:s25], $0x1000  }
0x122: {  	[sflag:s25] =	ssyncset.done $0x0  }
0x123: {  	[sflag:s25] =	ssyncadd.s32 $0xFFFFF000  }
0x124: {  	_ =	swait.ge [sflag:s25], $0x1000  }
0x125: {  	[sflag:s25] =	ssyncset.done $0x0  }
0x126: {  	[sflag:s25] =	ssyncadd.s32 $0xFFFFF000  }
0x127: {  	_ =	swait.ge [sflag:s25], $0x1000  }
0x128: {  	[sflag:s25] =	ssyncset.done $0x0  }
0x129: {  	p0 =	sne.s32 s1, $0x1;
	[sflag:s25] =	ssyncadd.s32 $0xFFFFF000  }
.Ltmp1:
0x12a: {  	_ =	swait.ge [sflag:s25], $0x1000;
	(pc) =	sbr.rel @p0 .LBB2_1-.Ltmp1, $4  }
0x12b: {  	[sflag:s25] =	ssyncset.done $0x0  }
0x12c: {  	[sflag:s25] =	ssyncadd.s32 $0xFFFFF000  }
0x12d: {  	_ =	swait.ge [sflag:s25], $0x1000  }
0x12e: {  	s1 =	sadd.s32 $0xFFFFFFFF, s1;
	[sflag:s25] =	ssyncset.done $0x0  }
.LBB2_2:
0x12f: {  	[sflag:s25] =	ssyncadd.s32 $0xFFFFF000  }
0x130: {  	_ =	swait.ge [sflag:s25], $0x1000  }
0x131: {  	[sflag:s25] =	ssyncset.done $0x0  }
0x132: {  	[sflag:s25] =	ssyncadd.s32 $0xFFFFF000  }
0x133: {  	_ =	swait.ge [sflag:s25], $0x1000  }
0x134: {  	[sflag:s25] =	ssyncset.done $0x0  }
0x135: {  	s0 =	rddreg [dreg:$0x4];
	[sflag:s25] =	ssyncadd.s32 $0xFFFFF000  }
0x136: {  	[hbm4b:s0+s2] =	stream.linear.scatter [tilespmem:s4], [sflag:$0x2], $0x19000, $0x38;
	[tilespmem:$0x19C80] =	vst v63  }
0x137: {  	_ =	swait.ge [sflag:s3], $0x19000  }
0x138: {  	[sflag:s3] =	ssyncset.done $0x0  }
0x139: {  	[sflag:s3] =	ssyncadd.s32 $0xFFFE7000  }
0x13a: {  	_ =	sfence.sel $0x180000  }
0x13b: {  	[bflag:$0x0] =	sbarrier.arrive $0xFFFF  }
0x13c: {  	_ =	strace $0x90000047  }
0x13d: {  	s31 =	stileid.u32;
	[bflag:$0x2] =	sbarrier.arrive $0xFFFF  }
0x13e: {  	p0 =	sne.s32 s31, $0x0;
	s0 =	rddreg [dreg:$0x2]  }
0x13f: {  	s0 =	sadd.s32 @!p0 $0x100000, s0  }
0x140: {  	[sflag:s0] =	ssyncadd.tile.s32 @!p0 $0x1;
	_ =	shalt  }
.Lfunc_end2:
_tile_overlayer_lowered:
.L_overlay_start_2:
0x141: {  	(tag) =	ssettag $0x2  }
0x142: {  	s0 =	rddreg [dreg:$0x0];
	s2 =	stileid.u32  }
0x143: {  	s1 =	rddreg [dreg:$0x1];
	p0 =	sne.s32 s2, $0x0  }
0x144: {  	s3 =	rddreg [dreg:$0x2];
	[bflag:$0x3] =	sbarrier.arrive $0xFFFF;
	s2 =	simm.s32 @!p0 $0x1C02  }
0x145: {  	[timem:s3], [sflag:s2] =	dma.local @!p0 [hbm:s0], s1  }
0x146: {  	s0 =	simm.s32 @!p0 $0x2  }
0x147: {  	_ =	swait.ge @!p0 [sflag:s0], s1  }
0x148: {  	s1 =	ssub.s32 @!p0 $0x0, s1;
	[sflag:s0] =	ssyncset.done @!p0 $0x0  }
0x149: {  	[sflag:s0] =	ssyncadd.s32 @!p0 s1  }
0x14a: {  	[bflag:$0x3] =	sbarrier.arrive $0xFFFF  }
0x14b: {  	_ =	shalt  }

</sc_bundles>
